<compile_context>
chip_gen: v7x
topology: tpu7x:2x2x1
jax: 0.10.2.dev20260603
libtpu: 0.0.44.dev20260713+nightly
codegen_flags: <defaults>
</compile_context>

<pallas_src>
import functools

import jax
import jax.numpy as jnp
from jax import lax
from jax.experimental import pallas as pl
from jax.experimental.pallas import tpu as pltpu
from jax.experimental.pallas import tpu_sc as plsc

NC = 2
NS = 16
NW = NC * NS
CH = 128
G_OUT = 64


def _scatter_sum_sc(h_pad, src_w, dst_w, zeros_blk, n_pad, nch):
    rpt = n_pad // NS
    mesh = plsc.VectorSubcoreMesh(core_axis_name="c", subcore_axis_name="s")

    @functools.partial(
        pl.kernel,
        out_type=jax.ShapeDtypeStruct((NC, n_pad, 128), jnp.float32),
        mesh=mesh,
        scratch_types=[
            pltpu.VMEM((nch, CH), jnp.int32),
            pltpu.VMEM((nch, CH), jnp.int32),
            pltpu.VMEM((CH, 128), jnp.float32),
            pltpu.VMEM_SHARED((n_pad, 128), jnp.float32),
            pltpu.SemaphoreType.DMA,
        ],
    )
    def k(h_hbm, src_hbm, dst_hbm, z_hbm, out_hbm, srcv, dstv, rows, acc, sem):
        c = lax.axis_index("c")
        s = lax.axis_index("s")
        pltpu.sync_copy(z_hbm, acc.at[pl.ds(s * rpt, rpt)])
        pltpu.sync_copy(src_hbm.at[c, s], srcv)
        pltpu.sync_copy(dst_hbm.at[c, s], dstv)
        plsc.subcore_barrier()

        def body(j, carry):
            pltpu.async_copy(h_hbm.at[srcv.at[j]], rows, sem).wait()
            pltpu.sync_copy(rows, acc.at[dstv.at[j]], add=True)
            return carry

        lax.fori_loop(0, nch, body, 0)
        plsc.subcore_barrier()
        pltpu.sync_copy(acc.at[pl.ds(s * rpt, rpt)],
                        out_hbm.at[c, pl.ds(s * rpt, rpt)])

    return k(h_pad, src_w, dst_w, zeros_blk)


def _dense_tc(h_pad, a0, a1, wr, wn, b_row, n_pad, bn):
    def body(h_ref, a0_ref, a1_ref, wr_ref, wn_ref, b_ref, o_ref):
        z = jnp.dot(h_ref[...], wr_ref[...],
                    preferred_element_type=jnp.float32,
                    precision=lax.Precision.HIGHEST)
        z += jnp.dot(a0_ref[...] + a1_ref[...], wn_ref[...],
                     preferred_element_type=jnp.float32,
                     precision=lax.Precision.HIGHEST)
        o_ref[...] = jnp.maximum(z + b_ref[...], 0.0)

    return pl.pallas_call(
        body,
        grid=(n_pad // bn,),
        in_specs=[
            pl.BlockSpec((bn, 128), lambda i: (i, 0)),
            pl.BlockSpec((bn, 128), lambda i: (i, 0)),
            pl.BlockSpec((bn, 128), lambda i: (i, 0)),
            pl.BlockSpec((128, 128), lambda i: (0, 0)),
            pl.BlockSpec((128, 128), lambda i: (0, 0)),
            pl.BlockSpec((1, 128), lambda i: (0, 0)),
        ],
        out_specs=pl.BlockSpec((bn, 128), lambda i: (i, 0)),
        out_shape=jax.ShapeDtypeStruct((n_pad, 128), jnp.float32),
    )(h_pad, a0, a1, wr, wn, b_row)


def _dense_pool_tc(h_pad, a0, a1, wr, wn, b_row, batch2d, n_pad, bn):
    grid = n_pad // bn

    def body(h_ref, a0_ref, a1_ref, wr_ref, wn_ref, b_ref, bt_ref,
             o_ref, ge_ref, sums, counts):
        i = pl.program_id(0)
        z = jnp.dot(h_ref[...], wr_ref[...],
                    preferred_element_type=jnp.float32,
                    precision=lax.Precision.HIGHEST)
        z += jnp.dot(a0_ref[...] + a1_ref[...], wn_ref[...],
                     preferred_element_type=jnp.float32,
                     precision=lax.Precision.HIGHEST)
        z = jnp.maximum(z + b_ref[...], 0.0)
        o_ref[...] = z

        @pl.when(i == 0)
        def _():
            sums[...] = jnp.zeros_like(sums)
            counts[...] = jnp.zeros_like(counts)

        gi = lax.broadcasted_iota(jnp.int32, (G_OUT, bn), 0)
        oh = (bt_ref[...] == gi).astype(jnp.float32)
        sums[...] += jnp.dot(oh, z, preferred_element_type=jnp.float32,
                             precision=lax.Precision.HIGHEST)
        counts[...] += jnp.broadcast_to(
            jnp.sum(oh, axis=1, keepdims=True), (G_OUT, 128))

        @pl.when(i == grid - 1)
        def _():
            ge_ref[...] = sums[...] / jnp.maximum(counts[...], 1.0)

    return pl.pallas_call(
        body,
        grid=(grid,),
        in_specs=[
            pl.BlockSpec((bn, 128), lambda i: (i, 0)),
            pl.BlockSpec((bn, 128), lambda i: (i, 0)),
            pl.BlockSpec((bn, 128), lambda i: (i, 0)),
            pl.BlockSpec((128, 128), lambda i: (0, 0)),
            pl.BlockSpec((128, 128), lambda i: (0, 0)),
            pl.BlockSpec((1, 128), lambda i: (0, 0)),
            pl.BlockSpec((1, bn), lambda i: (0, i)),
        ],
        out_specs=[
            pl.BlockSpec((bn, 128), lambda i: (i, 0)),
            pl.BlockSpec((G_OUT, 128), lambda i: (0, 0)),
        ],
        out_shape=[
            jax.ShapeDtypeStruct((n_pad, 128), jnp.float32),
            jax.ShapeDtypeStruct((G_OUT, 128), jnp.float32),
        ],
        scratch_shapes=[
            pltpu.VMEM((G_OUT, 128), jnp.float32),
            pltpu.VMEM((G_OUT, 128), jnp.float32),
        ],
    )(h_pad, a0, a1, wr, wn, b_row, batch2d)


def kernel(x, edge_index, batch, W_root0, W_nbr0, b0, W_root1, W_nbr1, b1):
    N, D = x.shape
    E = edge_index.shape[1]
    BN = 1024
    n_pad = ((N + 1 + BN - 1) // BN) * BN
    nch = -(-E // (NW * CH))
    e_pad = NW * nch * CH - E

    x_pad = jnp.pad(x, ((0, n_pad - N), (0, 0)))
    src = edge_index[0]
    dst = edge_index[1]
    src_w = jnp.concatenate(
        [src, jnp.zeros((e_pad,), jnp.int32)]).reshape(NC, NS, nch, CH)
    dst_w = jnp.concatenate(
        [dst, jnp.full((e_pad,), N, jnp.int32)]).reshape(NC, NS, nch, CH)
    batch2d = jnp.pad(batch, (0, n_pad - N),
                      constant_values=G_OUT).reshape(1, n_pad)
    zeros_blk = jnp.zeros((n_pad // NS, 128), jnp.float32)
    b0r = b0.reshape(1, D)
    b1r = b1.reshape(1, D)

    a = _scatter_sum_sc(x_pad, src_w, dst_w, zeros_blk, n_pad, nch)
    h1 = _dense_tc(x_pad, a[0], a[1], W_root0, W_nbr0, b0r, n_pad, BN)
    a2 = _scatter_sum_sc(h1, src_w, dst_w, zeros_blk, n_pad, nch)
    h2, ge = _dense_pool_tc(h1, a2[0], a2[1], W_root1, W_nbr1, b1r,
                            batch2d, n_pad, BN)
    return h2[:N], ge

# --- scband reference (transcript-rebuilt; emitter-appended) ---
"""Pipeline reference for scband-virtual-gnn-80169859547688 (READ-ONLY COPY).

The authoritative reference and input builder live on the scoring server;
editing this copy changes nothing except your own understanding.
"""

import jax, jax.numpy as jnp
import numpy as np

N = 10000
E = 320000
D = 128
G = 64


def setup_inputs(seed: int = 0) -> dict:
    key = jax.random.key(seed)
    ks = jax.random.split(key, 10)
    scale = 1.0 / np.sqrt(D)
    x = jax.random.normal(ks[0], (N, D), dtype=jnp.float32)
    edge_index = jax.random.randint(ks[1], (2, E), 0, N, dtype=jnp.int32)
    batch = jnp.sort(jax.random.randint(ks[2], (N,), 0, G, dtype=jnp.int32))
    W_root0 = jax.random.normal(ks[3], (D, D), dtype=jnp.float32) * scale
    W_nbr0 = jax.random.normal(ks[4], (D, D), dtype=jnp.float32) * scale
    b0 = jnp.zeros((D,), dtype=jnp.float32)
    W_root1 = jax.random.normal(ks[5], (D, D), dtype=jnp.float32) * scale
    W_nbr1 = jax.random.normal(ks[6], (D, D), dtype=jnp.float32) * scale
    b1 = jnp.zeros((D,), dtype=jnp.float32)
    return {"x": x, "edge_index": edge_index, "batch": batch,
            "W_root0": W_root0, "W_nbr0": W_nbr0, "b0": b0,
            "W_root1": W_root1, "W_nbr1": W_nbr1, "b1": b1}


def reference(x, edge_index, batch, W_root0, W_nbr0, b0, W_root1, W_nbr1, b1):
    # VirtualGNN with single 'real' node type and reserved 'r_to_r' edge type.
    # Each layer: HeteroConv({('real','r_to_r','real'): SAGE-style conv}, aggr='sum')
    # followed by ReLU activation (dropout is identity in eval mode).
    src = edge_index[0]
    dst = edge_index[1]
    h = x
    for (Wr, Wn, b) in ((W_root0, W_nbr0, b0), (W_root1, W_nbr1, b1)):
        msg = jnp.take(h, src, axis=0) @ Wn            # gather over edges
        agg = jax.ops.segment_sum(msg, dst, num_segments=N)  # scatter-add to dst nodes
        h = jax.nn.relu(h @ Wr + agg + b)
    # mean pooling readout -> graph embedding
    counts = jax.ops.segment_sum(jnp.ones((N,), jnp.float32), batch, num_segments=G)
    graph_embedding = jax.ops.segment_sum(h, batch, num_segments=G) / jnp.maximum(counts, 1.0)[:, None]
    node_embedding = h
    return node_embedding, graph_embedding

if __name__ == "__main__":
    import jax
    _d = setup_inputs()
    print(jax.jit(kernel)(*tuple(_d.values())))

</pallas_src>

<mosaic_0001>
#map = affine_map<(d0, d1) -> (0, 0)>
#map1 = affine_map<(d0, d1) -> (0, 0, 0, 0)>
#map2 = affine_map<(d0, d1) -> (0, 0, 0)>
module attributes {stable_mosaic.version = 14 : i64} {
  func.func @k(%arg0: i32, %arg1: i32, %arg2: memref<10240x128xf32, #tpu.memory_space<hbm>>, %arg3: memref<2x16x79x128xi32, #tpu.memory_space<hbm>>, %arg4: memref<2x16x79x128xi32, #tpu.memory_space<hbm>>, %arg5: memref<640x128xf32, #tpu.memory_space<hbm>>, %arg6: memref<2x10240x128xf32, #tpu.memory_space<hbm>>, %arg7: memref<79x128xi32, #tpu.memory_space<vmem>>, %arg8: memref<79x128xi32, #tpu.memory_space<vmem>>, %arg9: memref<128x128xf32, #tpu.memory_space<vmem>>, %arg10: memref<10240x128xf32, #tpu.memory_space<vmem_shared>>, %arg11: memref<!tpu.dma_semaphore, #tpu.memory_space<semaphore_mem>>) attributes {dimension_semantics = [#tpu.dimension_semantics<core_parallel>, #tpu.dimension_semantics<subcore_parallel>], iteration_bounds = array<i64: 2, 16>, scalar_prefetch = 0 : i64, scratch_operands = 5 : i64, tpu.core_type = #tpu.core_type<sc_vector_subcore>, window_params = [{transform_indices = #map}, {transform_indices = #map1}, {transform_indices = #map1}, {transform_indices = #map}, {transform_indices = #map2}]} {
    %mul3A = arith.constant 640 : i32
    %mul3A_0 = arith.muli %arg1, %mul3A : i32
    "tpu.region"() ({
      %run_scoped3A = tpu.sem_alloc : memref<!tpu.dma_semaphore, #tpu.memory_space<semaphore_mem>>
      %dma_start3A = arith.constant 0 : i32
      %dma_start3A_11 = tpu.memref_slice %arg10[%mul3A_0, %dma_start3A] : memref<10240x128xf32, #tpu.memory_space<vmem_shared>> -> memref<640x128xf32, #tpu.memory_space<vmem_shared>>
      tpu.enqueue_dma source(%arg5 : memref<640x128xf32, #tpu.memory_space<hbm>>) target(%dma_start3A_11 : memref<640x128xf32, #tpu.memory_space<vmem_shared>>) target_semaphore(%run_scoped3A : memref<!tpu.dma_semaphore, #tpu.memory_space<semaphore_mem>>)
      %dma_wait3A = arith.constant 0 : i32
      %dma_wait3A_12 = tpu.memref_slice %arg10[%mul3A_0, %dma_wait3A] : memref<10240x128xf32, #tpu.memory_space<vmem_shared>> -> memref<640x128xf32, #tpu.memory_space<vmem_shared>>
      tpu.wait_dma2 semaphore(%run_scoped3A : memref<!tpu.dma_semaphore, #tpu.memory_space<semaphore_mem>>) src(%arg5 : memref<640x128xf32, #tpu.memory_space<hbm>>) dst(%dma_wait3A_12 : memref<640x128xf32, #tpu.memory_space<vmem_shared>>)
      tpu.yield
    }) : () -> ()
    "tpu.region"() ({
      %run_scoped3A = tpu.sem_alloc : memref<!tpu.dma_semaphore, #tpu.memory_space<semaphore_mem>>
      %dma_start3A = arith.constant 0 : i32
      %dma_start3A_11 = arith.constant 0 : i32
      %dma_start3A_12 = tpu.memref_slice %arg3[%arg0, %arg1, %dma_start3A, %dma_start3A_11] : memref<2x16x79x128xi32, #tpu.memory_space<hbm>> -> memref<1x1x79x128xi32, #tpu.memory_space<hbm>>
      %dma_start3A_13 = tpu.memref_squeeze %dma_start3A_12 : memref<1x1x79x128xi32, #tpu.memory_space<hbm>> -> memref<79x128xi32, #tpu.memory_space<hbm>>
      %dma_start3A_14 = arith.constant 0 : i32
      %dma_start3A_15 = arith.constant 0 : i32
      %dma_start3A_16 = tpu.memref_slice %arg3[%arg0, %arg1, %dma_start3A_14, %dma_start3A_15] : memref<2x16x79x128xi32, #tpu.memory_space<hbm>> -> memref<1x1x79x128xi32, #tpu.memory_space<hbm>>
      %dma_start3A_17 = tpu.memref_squeeze %dma_start3A_16 : memref<1x1x79x128xi32, #tpu.memory_space<hbm>> -> memref<79x128xi32, #tpu.memory_space<hbm>>
      tpu.enqueue_dma source(%dma_start3A_17 : memref<79x128xi32, #tpu.memory_space<hbm>>) target(%arg7 : memref<79x128xi32, #tpu.memory_space<vmem>>) target_semaphore(%run_scoped3A : memref<!tpu.dma_semaphore, #tpu.memory_space<semaphore_mem>>)
      %dma_wait3A = arith.constant 0 : i32
      %dma_wait3A_18 = arith.constant 0 : i32
      %dma_wait3A_19 = tpu.memref_slice %arg3[%arg0, %arg1, %dma_wait3A, %dma_wait3A_18] : memref<2x16x79x128xi32, #tpu.memory_space<hbm>> -> memref<1x1x79x128xi32, #tpu.memory_space<hbm>>
      %dma_wait3A_20 = tpu.memref_squeeze %dma_wait3A_19 : memref<1x1x79x128xi32, #tpu.memory_space<hbm>> -> memref<79x128xi32, #tpu.memory_space<hbm>>
      %dma_wait3A_21 = arith.constant 0 : i32
      %dma_wait3A_22 = arith.constant 0 : i32
      %dma_wait3A_23 = tpu.memref_slice %arg3[%arg0, %arg1, %dma_wait3A_21, %dma_wait3A_22] : memref<2x16x79x128xi32, #tpu.memory_space<hbm>> -> memref<1x1x79x128xi32, #tpu.memory_space<hbm>>
      %dma_wait3A_24 = tpu.memref_squeeze %dma_wait3A_23 : memref<1x1x79x128xi32, #tpu.memory_space<hbm>> -> memref<79x128xi32, #tpu.memory_space<hbm>>
      tpu.wait_dma2 semaphore(%run_scoped3A : memref<!tpu.dma_semaphore, #tpu.memory_space<semaphore_mem>>) src(%dma_wait3A_24 : memref<79x128xi32, #tpu.memory_space<hbm>>) dst(%arg7 : memref<79x128xi32, #tpu.memory_space<vmem>>)
      tpu.yield
    }) : () -> ()
    "tpu.region"() ({
      %run_scoped3A = tpu.sem_alloc : memref<!tpu.dma_semaphore, #tpu.memory_space<semaphore_mem>>
      %dma_start3A = arith.constant 0 : i32
      %dma_start3A_11 = arith.constant 0 : i32
      %dma_start3A_12 = tpu.memref_slice %arg4[%arg0, %arg1, %dma_start3A, %dma_start3A_11] : memref<2x16x79x128xi32, #tpu.memory_space<hbm>> -> memref<1x1x79x128xi32, #tpu.memory_space<hbm>>
      %dma_start3A_13 = tpu.memref_squeeze %dma_start3A_12 : memref<1x1x79x128xi32, #tpu.memory_space<hbm>> -> memref<79x128xi32, #tpu.memory_space<hbm>>
      %dma_start3A_14 = arith.constant 0 : i32
      %dma_start3A_15 = arith.constant 0 : i32
      %dma_start3A_16 = tpu.memref_slice %arg4[%arg0, %arg1, %dma_start3A_14, %dma_start3A_15] : memref<2x16x79x128xi32, #tpu.memory_space<hbm>> -> memref<1x1x79x128xi32, #tpu.memory_space<hbm>>
      %dma_start3A_17 = tpu.memref_squeeze %dma_start3A_16 : memref<1x1x79x128xi32, #tpu.memory_space<hbm>> -> memref<79x128xi32, #tpu.memory_space<hbm>>
      tpu.enqueue_dma source(%dma_start3A_17 : memref<79x128xi32, #tpu.memory_space<hbm>>) target(%arg8 : memref<79x128xi32, #tpu.memory_space<vmem>>) target_semaphore(%run_scoped3A : memref<!tpu.dma_semaphore, #tpu.memory_space<semaphore_mem>>)
      %dma_wait3A = arith.constant 0 : i32
      %dma_wait3A_18 = arith.constant 0 : i32
      %dma_wait3A_19 = tpu.memref_slice %arg4[%arg0, %arg1, %dma_wait3A, %dma_wait3A_18] : memref<2x16x79x128xi32, #tpu.memory_space<hbm>> -> memref<1x1x79x128xi32, #tpu.memory_space<hbm>>
      %dma_wait3A_20 = tpu.memref_squeeze %dma_wait3A_19 : memref<1x1x79x128xi32, #tpu.memory_space<hbm>> -> memref<79x128xi32, #tpu.memory_space<hbm>>
      %dma_wait3A_21 = arith.constant 0 : i32
      %dma_wait3A_22 = arith.constant 0 : i32
      %dma_wait3A_23 = tpu.memref_slice %arg4[%arg0, %arg1, %dma_wait3A_21, %dma_wait3A_22] : memref<2x16x79x128xi32, #tpu.memory_space<hbm>> -> memref<1x1x79x128xi32, #tpu.memory_space<hbm>>
      %dma_wait3A_24 = tpu.memref_squeeze %dma_wait3A_23 : memref<1x1x79x128xi32, #tpu.memory_space<hbm>> -> memref<79x128xi32, #tpu.memory_space<hbm>>
      tpu.wait_dma2 semaphore(%run_scoped3A : memref<!tpu.dma_semaphore, #tpu.memory_space<semaphore_mem>>) src(%dma_wait3A_24 : memref<79x128xi32, #tpu.memory_space<hbm>>) dst(%arg8 : memref<79x128xi32, #tpu.memory_space<vmem>>)
      tpu.yield
    }) : () -> ()
    %barrier3A = arith.constant 0 : index
    tpu.barrier barrier_id(%barrier3A)
    %scan3A = arith.constant 0 : i32
    %scan3A_1 = arith.constant 0 : i32
    %scan3A_2 = arith.constant 79 : i32
    %scan3A_3 = arith.addi %scan3A_1, %scan3A_2 : i32
    %scan3A_4 = arith.constant 1 : i32
    scf.for %scan3A_11 = %scan3A_1 to %scan3A_3 step %scan3A_4  : i32 {
      %dma_start3A = arith.constant 0 : i32
      %dma_start3A_12 = tpu.memref_slice %arg7[%scan3A_11, %dma_start3A] : memref<79x128xi32, #tpu.memory_space<vmem>> -> memref<1x128xi32, #tpu.memory_space<vmem>>
      %dma_start3A_13 = tpu.memref_squeeze %dma_start3A_12 : memref<1x128xi32, #tpu.memory_space<vmem>> -> memref<128xi32, #tpu.memory_space<vmem>>
      %dma_start3A_14 = arith.constant 0 : i32
      %dma_start3A_15 = arith.constant 0 : i32
      %dma_start3A_16 = tpu.memref_slice %arg2[%dma_start3A_14, %dma_start3A_15] : memref<10240x128xf32, #tpu.memory_space<hbm>> -> memref<10240x128xf32, #tpu.memory_space<hbm>>
      tpu.enqueue_indirect_dma source(%dma_start3A_16 : memref<10240x128xf32, #tpu.memory_space<hbm>>) target(%arg9 : memref<128x128xf32, #tpu.memory_space<vmem>>) offsets(%dma_start3A_13 : memref<128xi32, #tpu.memory_space<vmem>>) semaphore(%arg11 : memref<!tpu.dma_semaphore, #tpu.memory_space<semaphore_mem>>)
      %dma_wait3A = arith.constant 0 : i32
      %dma_wait3A_17 = tpu.memref_slice %arg7[%scan3A_11, %dma_wait3A] : memref<79x128xi32, #tpu.memory_space<vmem>> -> memref<1x128xi32, #tpu.memory_space<vmem>>
      %dma_wait3A_18 = tpu.memref_squeeze %dma_wait3A_17 : memref<1x128xi32, #tpu.memory_space<vmem>> -> memref<128xi32, #tpu.memory_space<vmem>>
      %dma_wait3A_19 = arith.constant 0 : i32
      %dma_wait3A_20 = arith.constant 0 : i32
      %dma_wait3A_21 = tpu.memref_slice %arg2[%dma_wait3A_19, %dma_wait3A_20] : memref<10240x128xf32, #tpu.memory_space<hbm>> -> memref<10240x128xf32, #tpu.memory_space<hbm>>
      tpu.wait_indirect_dma semaphore(%arg11 : memref<!tpu.dma_semaphore, #tpu.memory_space<semaphore_mem>>) src(%dma_wait3A_21 : memref<10240x128xf32, #tpu.memory_space<hbm>>) dst(%arg9 : memref<128x128xf32, #tpu.memory_space<vmem>>)
      "tpu.region"() ({
        %run_scoped3A = tpu.sem_alloc : memref<!tpu.dma_semaphore, #tpu.memory_space<semaphore_mem>>
        %dma_start3A_22 = arith.constant 0 : i32
        %dma_start3A_23 = tpu.memref_slice %arg8[%scan3A_11, %dma_start3A_22] : memref<79x128xi32, #tpu.memory_space<vmem>> -> memref<1x128xi32, #tpu.memory_space<vmem>>
        %dma_start3A_24 = tpu.memref_squeeze %dma_start3A_23 : memref<1x128xi32, #tpu.memory_space<vmem>> -> memref<128xi32, #tpu.memory_space<vmem>>
        %dma_start3A_25 = arith.constant 0 : i32
        %dma_start3A_26 = arith.constant 0 : i32
        %dma_start3A_27 = tpu.memref_slice %arg10[%dma_start3A_25, %dma_start3A_26] : memref<10240x128xf32, #tpu.memory_space<vmem_shared>> -> memref<10240x128xf32, #tpu.memory_space<vmem_shared>>
        tpu.enqueue_indirect_dma source(%arg9 : memref<128x128xf32, #tpu.memory_space<vmem>>) target(%dma_start3A_27 : memref<10240x128xf32, #tpu.memory_space<vmem_shared>>) offsets(%dma_start3A_24 : memref<128xi32, #tpu.memory_space<vmem>>) semaphore(%run_scoped3A : memref<!tpu.dma_semaphore, #tpu.memory_space<semaphore_mem>>) {add = true}
        %dma_wait3A_28 = arith.constant 0 : i32
        %dma_wait3A_29 = tpu.memref_slice %arg8[%scan3A_11, %dma_wait3A_28] : memref<79x128xi32, #tpu.memory_space<vmem>> -> memref<1x128xi32, #tpu.memory_space<vmem>>
        %dma_wait3A_30 = tpu.memref_squeeze %dma_wait3A_29 : memref<1x128xi32, #tpu.memory_space<vmem>> -> memref<128xi32, #tpu.memory_space<vmem>>
        %dma_wait3A_31 = arith.constant 0 : i32
        %dma_wait3A_32 = arith.constant 0 : i32
        %dma_wait3A_33 = tpu.memref_slice %arg10[%dma_wait3A_31, %dma_wait3A_32] : memref<10240x128xf32, #tpu.memory_space<vmem_shared>> -> memref<10240x128xf32, #tpu.memory_space<vmem_shared>>
        tpu.wait_indirect_dma semaphore(%run_scoped3A : memref<!tpu.dma_semaphore, #tpu.memory_space<semaphore_mem>>) src(%arg9 : memref<128x128xf32, #tpu.memory_space<vmem>>) dst(%dma_wait3A_33 : memref<10240x128xf32, #tpu.memory_space<vmem_shared>>)
        tpu.yield
      }) : () -> ()
    }
    %scan3A_5 = arith.constant 79 : i32
    %barrier3A_6 = arith.constant 0 : index
    tpu.barrier barrier_id(%barrier3A_6)
    %mul3A_7 = arith.constant 640 : i32
    %mul3A_8 = arith.muli %arg1, %mul3A_7 : i32
    %mul3A_9 = arith.constant 640 : i32
    %mul3A_10 = arith.muli %arg1, %mul3A_9 : i32
    "tpu.region"() ({
      %run_scoped3A = tpu.sem_alloc : memref<!tpu.dma_semaphore, #tpu.memory_space<semaphore_mem>>
      %dma_start3A = arith.constant 0 : i32
      %dma_start3A_11 = tpu.memref_slice %arg6[%arg0, %mul3A_10, %dma_start3A] : memref<2x10240x128xf32, #tpu.memory_space<hbm>> -> memref<1x640x128xf32, #tpu.memory_space<hbm>>
      %dma_start3A_12 = tpu.memref_squeeze %dma_start3A_11 : memref<1x640x128xf32, #tpu.memory_space<hbm>> -> memref<640x128xf32, #tpu.memory_space<hbm>>
      %dma_start3A_13 = arith.constant 0 : i32
      %dma_start3A_14 = tpu.memref_slice %arg10[%mul3A_8, %dma_start3A_13] : memref<10240x128xf32, #tpu.memory_space<vmem_shared>> -> memref<640x128xf32, #tpu.memory_space<vmem_shared>>
      tpu.enqueue_dma source(%dma_start3A_14 : memref<640x128xf32, #tpu.memory_space<vmem_shared>>) target(%dma_start3A_12 : memref<640x128xf32, #tpu.memory_space<hbm>>) target_semaphore(%run_scoped3A : memref<!tpu.dma_semaphore, #tpu.memory_space<semaphore_mem>>)
      %dma_wait3A = arith.constant 0 : i32
      %dma_wait3A_15 = tpu.memref_slice %arg6[%arg0, %mul3A_10, %dma_wait3A] : memref<2x10240x128xf32, #tpu.memory_space<hbm>> -> memref<1x640x128xf32, #tpu.memory_space<hbm>>
      %dma_wait3A_16 = tpu.memref_squeeze %dma_wait3A_15 : memref<1x640x128xf32, #tpu.memory_space<hbm>> -> memref<640x128xf32, #tpu.memory_space<hbm>>
      %dma_wait3A_17 = arith.constant 0 : i32
      %dma_wait3A_18 = tpu.memref_slice %arg10[%mul3A_8, %dma_wait3A_17] : memref<10240x128xf32, #tpu.memory_space<vmem_shared>> -> memref<640x128xf32, #tpu.memory_space<vmem_shared>>
      tpu.wait_dma2 semaphore(%run_scoped3A : memref<!tpu.dma_semaphore, #tpu.memory_space<semaphore_mem>>) src(%dma_wait3A_18 : memref<640x128xf32, #tpu.memory_space<vmem_shared>>) dst(%dma_wait3A_16 : memref<640x128xf32, #tpu.memory_space<hbm>>)
      tpu.yield
    }) : () -> ()
    return
  }
}

#map = affine_map<(d0, d1) -> (0, 0)>
#map1 = affine_map<(d0, d1) -> (0, 0, 0, 0)>
#map2 = affine_map<(d0, d1) -> (0, 0, 0)>
module attributes {stable_mosaic.version = 14 : i64} {
  func.func @k(%arg0: i32, %arg1: i32, %arg2: memref<10240x128xf32, #tpu.memory_space<hbm>>, %arg3: memref<2x16x79x128xi32, #tpu.memory_space<hbm>>, %arg4: memref<2x16x79x128xi32, #tpu.memory_space<hbm>>, %arg5: memref<640x128xf32, #tpu.memory_space<hbm>>, %arg6: memref<2x10240x128xf32, #tpu.memory_space<hbm>>, %arg7: memref<79x128xi32, #tpu.memory_space<vmem>>, %arg8: memref<79x128xi32, #tpu.memory_space<vmem>>, %arg9: memref<128x128xf32, #tpu.memory_space<vmem>>, %arg10: memref<10240x128xf32, #tpu.memory_space<vmem_shared>>, %arg11: memref<!tpu.dma_semaphore, #tpu.memory_space<semaphore_mem>>) attributes {dimension_semantics = [#tpu.dimension_semantics<core_parallel>, #tpu.dimension_semantics<subcore_parallel>], iteration_bounds = array<i64: 2, 16>, scalar_prefetch = 0 : i64, scratch_operands = 5 : i64, tpu.core_type = #tpu.core_type<sc_vector_subcore>, window_params = [{transform_indices = #map}, {transform_indices = #map1}, {transform_indices = #map1}, {transform_indices = #map}, {transform_indices = #map2}]} {
    %mul3A = arith.constant 640 : i32
    %mul3A_0 = arith.muli %arg1, %mul3A : i32
    "tpu.region"() ({
      %run_scoped3A = tpu.sem_alloc : memref<!tpu.dma_semaphore, #tpu.memory_space<semaphore_mem>>
      %dma_start3A = arith.constant 0 : i32
      %dma_start3A_11 = tpu.memref_slice %arg10[%mul3A_0, %dma_start3A] : memref<10240x128xf32, #tpu.memory_space<vmem_shared>> -> memref<640x128xf32, #tpu.memory_space<vmem_shared>>
      tpu.enqueue_dma source(%arg5 : memref<640x128xf32, #tpu.memory_space<hbm>>) target(%dma_start3A_11 : memref<640x128xf32, #tpu.memory_space<vmem_shared>>) target_semaphore(%run_scoped3A : memref<!tpu.dma_semaphore, #tpu.memory_space<semaphore_mem>>)
      %dma_wait3A = arith.constant 0 : i32
      %dma_wait3A_12 = tpu.memref_slice %arg10[%mul3A_0, %dma_wait3A] : memref<10240x128xf32, #tpu.memory_space<vmem_shared>> -> memref<640x128xf32, #tpu.memory_space<vmem_shared>>
      tpu.wait_dma2 semaphore(%run_scoped3A : memref<!tpu.dma_semaphore, #tpu.memory_space<semaphore_mem>>) src(%arg5 : memref<640x128xf32, #tpu.memory_space<hbm>>) dst(%dma_wait3A_12 : memref<640x128xf32, #tpu.memory_space<vmem_shared>>)
      tpu.yield
    }) : () -> ()
    "tpu.region"() ({
      %run_scoped3A = tpu.sem_alloc : memref<!tpu.dma_semaphore, #tpu.memory_space<semaphore_mem>>
      %dma_start3A = arith.constant 0 : i32
      %dma_start3A_11 = arith.constant 0 : i32
      %dma_start3A_12 = tpu.memref_slice %arg3[%arg0, %arg1, %dma_start3A, %dma_start3A_11] : memref<2x16x79x128xi32, #tpu.memory_space<hbm>> -> memref<1x1x79x128xi32, #tpu.memory_space<hbm>>
      %dma_start3A_13 = tpu.memref_squeeze %dma_start3A_12 : memref<1x1x79x128xi32, #tpu.memory_space<hbm>> -> memref<79x128xi32, #tpu.memory_space<hbm>>
      %dma_start3A_14 = arith.constant 0 : i32
      %dma_start3A_15 = arith.constant 0 : i32
      %dma_start3A_16 = tpu.memref_slice %arg3[%arg0, %arg1, %dma_start3A_14, %dma_start3A_15] : memref<2x16x79x128xi32, #tpu.memory_space<hbm>> -> memref<1x1x79x128xi32, #tpu.memory_space<hbm>>
      %dma_start3A_17 = tpu.memref_squeeze %dma_start3A_16 : memref<1x1x79x128xi32, #tpu.memory_space<hbm>> -> memref<79x128xi32, #tpu.memory_space<hbm>>
      tpu.enqueue_dma source(%dma_start3A_17 : memref<79x128xi32, #tpu.memory_space<hbm>>) target(%arg7 : memref<79x128xi32, #tpu.memory_space<vmem>>) target_semaphore(%run_scoped3A : memref<!tpu.dma_semaphore, #tpu.memory_space<semaphore_mem>>)
      %dma_wait3A = arith.constant 0 : i32
      %dma_wait3A_18 = arith.constant 0 : i32
      %dma_wait3A_19 = tpu.memref_slice %arg3[%arg0, %arg1, %dma_wait3A, %dma_wait3A_18] : memref<2x16x79x128xi32, #tpu.memory_space<hbm>> -> memref<1x1x79x128xi32, #tpu.memory_space<hbm>>
      %dma_wait3A_20 = tpu.memref_squeeze %dma_wait3A_19 : memref<1x1x79x128xi32, #tpu.memory_space<hbm>> -> memref<79x128xi32, #tpu.memory_space<hbm>>
      %dma_wait3A_21 = arith.constant 0 : i32
      %dma_wait3A_22 = arith.constant 0 : i32
      %dma_wait3A_23 = tpu.memref_slice %arg3[%arg0, %arg1, %dma_wait3A_21, %dma_wait3A_22] : memref<2x16x79x128xi32, #tpu.memory_space<hbm>> -> memref<1x1x79x128xi32, #tpu.memory_space<hbm>>
      %dma_wait3A_24 = tpu.memref_squeeze %dma_wait3A_23 : memref<1x1x79x128xi32, #tpu.memory_space<hbm>> -> memref<79x128xi32, #tpu.memory_space<hbm>>
      tpu.wait_dma2 semaphore(%run_scoped3A : memref<!tpu.dma_semaphore, #tpu.memory_space<semaphore_mem>>) src(%dma_wait3A_24 : memref<79x128xi32, #tpu.memory_space<hbm>>) dst(%arg7 : memref<79x128xi32, #tpu.memory_space<vmem>>)
      tpu.yield
    }) : () -> ()
    "tpu.region"() ({
      %run_scoped3A = tpu.sem_alloc : memref<!tpu.dma_semaphore, #tpu.memory_space<semaphore_mem>>
      %dma_start3A = arith.constant 0 : i32
      %dma_start3A_11 = arith.constant 0 : i32
      %dma_start3A_12 = tpu.memref_slice %arg4[%arg0, %arg1, %dma_start3A, %dma_start3A_11] : memref<2x16x79x128xi32, #tpu.memory_space<hbm>> -> memref<1x1x79x128xi32, #tpu.memory_space<hbm>>
      %dma_start3A_13 = tpu.memref_squeeze %dma_start3A_12 : memref<1x1x79x128xi32, #tpu.memory_space<hbm>> -> memref<79x128xi32, #tpu.memory_space<hbm>>
      %dma_start3A_14 = arith.constant 0 : i32
      %dma_start3A_15 = arith.constant 0 : i32
      %dma_start3A_16 = tpu.memref_slice %arg4[%arg0, %arg1, %dma_start3A_14, %dma_start3A_15] : memref<2x16x79x128xi32, #tpu.memory_space<hbm>> -> memref<1x1x79x128xi32, #tpu.memory_space<hbm>>
      %dma_start3A_17 = tpu.memref_squeeze %dma_start3A_16 : memref<1x1x79x128xi32, #tpu.memory_space<hbm>> -> memref<79x128xi32, #tpu.memory_space<hbm>>
      tpu.enqueue_dma source(%dma_start3A_17 : memref<79x128xi32, #tpu.memory_space<hbm>>) target(%arg8 : memref<79x128xi32, #tpu.memory_space<vmem>>) target_semaphore(%run_scoped3A : memref<!tpu.dma_semaphore, #tpu.memory_space<semaphore_mem>>)
      %dma_wait3A = arith.constant 0 : i32
      %dma_wait3A_18 = arith.constant 0 : i32
      %dma_wait3A_19 = tpu.memref_slice %arg4[%arg0, %arg1, %dma_wait3A, %dma_wait3A_18] : memref<2x16x79x128xi32, #tpu.memory_space<hbm>> -> memref<1x1x79x128xi32, #tpu.memory_space<hbm>>
      %dma_wait3A_20 = tpu.memref_squeeze %dma_wait3A_19 : memref<1x1x79x128xi32, #tpu.memory_space<hbm>> -> memref<79x128xi32, #tpu.memory_space<hbm>>
      %dma_wait3A_21 = arith.constant 0 : i32
      %dma_wait3A_22 = arith.constant 0 : i32
      %dma_wait3A_23 = tpu.memref_slice %arg4[%arg0, %arg1, %dma_wait3A_21, %dma_wait3A_22] : memref<2x16x79x128xi32, #tpu.memory_space<hbm>> -> memref<1x1x79x128xi32, #tpu.memory_space<hbm>>
      %dma_wait3A_24 = tpu.memref_squeeze %dma_wait3A_23 : memref<1x1x79x128xi32, #tpu.memory_space<hbm>> -> memref<79x128xi32, #tpu.memory_space<hbm>>
      tpu.wait_dma2 semaphore(%run_scoped3A : memref<!tpu.dma_semaphore, #tpu.memory_space<semaphore_mem>>) src(%dma_wait3A_24 : memref<79x128xi32, #tpu.memory_space<hbm>>) dst(%arg8 : memref<79x128xi32, #tpu.memory_space<vmem>>)
      tpu.yield
    }) : () -> ()
    %barrier3A = arith.constant 0 : index
    tpu.barrier barrier_id(%barrier3A)
    %scan3A = arith.constant 0 : i32
    %scan3A_1 = arith.constant 0 : i32
    %scan3A_2 = arith.constant 79 : i32
    %scan3A_3 = arith.addi %scan3A_1, %scan3A_2 : i32
    %scan3A_4 = arith.constant 1 : i32
    scf.for %scan3A_11 = %scan3A_1 to %scan3A_3 step %scan3A_4  : i32 {
      %dma_start3A = arith.constant 0 : i32
      %dma_start3A_12 = tpu.memref_slice %arg7[%scan3A_11, %dma_start3A] : memref<79x128xi32, #tpu.memory_space<vmem>> -> memref<1x128xi32, #tpu.memory_space<vmem>>
      %dma_start3A_13 = tpu.memref_squeeze %dma_start3A_12 : memref<1x128xi32, #tpu.memory_space<vmem>> -> memref<128xi32, #tpu.memory_space<vmem>>
      %dma_start3A_14 = arith.constant 0 : i32
      %dma_start3A_15 = arith.constant 0 : i32
      %dma_start3A_16 = tpu.memref_slice %arg2[%dma_start3A_14, %dma_start3A_15] : memref<10240x128xf32, #tpu.memory_space<hbm>> -> memref<10240x128xf32, #tpu.memory_space<hbm>>
      tpu.enqueue_indirect_dma source(%dma_start3A_16 : memref<10240x128xf32, #tpu.memory_space<hbm>>) target(%arg9 : memref<128x128xf32, #tpu.memory_space<vmem>>) offsets(%dma_start3A_13 : memref<128xi32, #tpu.memory_space<vmem>>) semaphore(%arg11 : memref<!tpu.dma_semaphore, #tpu.memory_space<semaphore_mem>>)
      %dma_wait3A = arith.constant 0 : i32
      %dma_wait3A_17 = tpu.memref_slice %arg7[%scan3A_11, %dma_wait3A] : memref<79x128xi32, #tpu.memory_space<vmem>> -> memref<1x128xi32, #tpu.memory_space<vmem>>
      %dma_wait3A_18 = tpu.memref_squeeze %dma_wait3A_17 : memref<1x128xi32, #tpu.memory_space<vmem>> -> memref<128xi32, #tpu.memory_space<vmem>>
      %dma_wait3A_19 = arith.constant 0 : i32
      %dma_wait3A_20 = arith.constant 0 : i32
      %dma_wait3A_21 = tpu.memref_slice %arg2[%dma_wait3A_19, %dma_wait3A_20] : memref<10240x128xf32, #tpu.memory_space<hbm>> -> memref<10240x128xf32, #tpu.memory_space<hbm>>
      tpu.wait_indirect_dma semaphore(%arg11 : memref<!tpu.dma_semaphore, #tpu.memory_space<semaphore_mem>>) src(%dma_wait3A_21 : memref<10240x128xf32, #tpu.memory_space<hbm>>) dst(%arg9 : memref<128x128xf32, #tpu.memory_space<vmem>>)
      "tpu.region"() ({
        %run_scoped3A = tpu.sem_alloc : memref<!tpu.dma_semaphore, #tpu.memory_space<semaphore_mem>>
        %dma_start3A_22 = arith.constant 0 : i32
        %dma_start3A_23 = tpu.memref_slice %arg8[%scan3A_11, %dma_start3A_22] : memref<79x128xi32, #tpu.memory_space<vmem>> -> memref<1x128xi32, #tpu.memory_space<vmem>>
        %dma_start3A_24 = tpu.memref_squeeze %dma_start3A_23 : memref<1x128xi32, #tpu.memory_space<vmem>> -> memref<128xi32, #tpu.memory_space<vmem>>
        %dma_start3A_25 = arith.constant 0 : i32
        %dma_start3A_26 = arith.constant 0 : i32
        %dma_start3A_27 = tpu.memref_slice %arg10[%dma_start3A_25, %dma_start3A_26] : memref<10240x128xf32, #tpu.memory_space<vmem_shared>> -> memref<10240x128xf32, #tpu.memory_space<vmem_shared>>
        tpu.enqueue_indirect_dma source(%arg9 : memref<128x128xf32, #tpu.memory_space<vmem>>) target(%dma_start3A_27 : memref<10240x128xf32, #tpu.memory_space<vmem_shared>>) offsets(%dma_start3A_24 : memref<128xi32, #tpu.memory_space<vmem>>) semaphore(%run_scoped3A : memref<!tpu.dma_semaphore, #tpu.memory_space<semaphore_mem>>) {add = true}
        %dma_wait3A_28 = arith.constant 0 : i32
        %dma_wait3A_29 = tpu.memref_slice %arg8[%scan3A_11, %dma_wait3A_28] : memref<79x128xi32, #tpu.memory_space<vmem>> -> memref<1x128xi32, #tpu.memory_space<vmem>>
        %dma_wait3A_30 = tpu.memref_squeeze %dma_wait3A_29 : memref<1x128xi32, #tpu.memory_space<vmem>> -> memref<128xi32, #tpu.memory_space<vmem>>
        %dma_wait3A_31 = arith.constant 0 : i32
        %dma_wait3A_32 = arith.constant 0 : i32
        %dma_wait3A_33 = tpu.memref_slice %arg10[%dma_wait3A_31, %dma_wait3A_32] : memref<10240x128xf32, #tpu.memory_space<vmem_shared>> -> memref<10240x128xf32, #tpu.memory_space<vmem_shared>>
        tpu.wait_indirect_dma semaphore(%run_scoped3A : memref<!tpu.dma_semaphore, #tpu.memory_space<semaphore_mem>>) src(%arg9 : memref<128x128xf32, #tpu.memory_space<vmem>>) dst(%dma_wait3A_33 : memref<10240x128xf32, #tpu.memory_space<vmem_shared>>)
        tpu.yield
      }) : () -> ()
    }
    %scan3A_5 = arith.constant 79 : i32
    %barrier3A_6 = arith.constant 0 : index
    tpu.barrier barrier_id(%barrier3A_6)
    %mul3A_7 = arith.constant 640 : i32
    %mul3A_8 = arith.muli %arg1, %mul3A_7 : i32
    %mul3A_9 = arith.constant 640 : i32
    %mul3A_10 = arith.muli %arg1, %mul3A_9 : i32
    "tpu.region"() ({
      %run_scoped3A = tpu.sem_alloc : memref<!tpu.dma_semaphore, #tpu.memory_space<semaphore_mem>>
      %dma_start3A = arith.constant 0 : i32
      %dma_start3A_11 = tpu.memref_slice %arg6[%arg0, %mul3A_10, %dma_start3A] : memref<2x10240x128xf32, #tpu.memory_space<hbm>> -> memref<1x640x128xf32, #tpu.memory_space<hbm>>
      %dma_start3A_12 = tpu.memref_squeeze %dma_start3A_11 : memref<1x640x128xf32, #tpu.memory_space<hbm>> -> memref<640x128xf32, #tpu.memory_space<hbm>>
      %dma_start3A_13 = arith.constant 0 : i32
      %dma_start3A_14 = tpu.memref_slice %arg10[%mul3A_8, %dma_start3A_13] : memref<10240x128xf32, #tpu.memory_space<vmem_shared>> -> memref<640x128xf32, #tpu.memory_space<vmem_shared>>
      tpu.enqueue_dma source(%dma_start3A_14 : memref<640x128xf32, #tpu.memory_space<vmem_shared>>) target(%dma_start3A_12 : memref<640x128xf32, #tpu.memory_space<hbm>>) target_semaphore(%run_scoped3A : memref<!tpu.dma_semaphore, #tpu.memory_space<semaphore_mem>>)
      %dma_wait3A = arith.constant 0 : i32
      %dma_wait3A_15 = tpu.memref_slice %arg6[%arg0, %mul3A_10, %dma_wait3A] : memref<2x10240x128xf32, #tpu.memory_space<hbm>> -> memref<1x640x128xf32, #tpu.memory_space<hbm>>
      %dma_wait3A_16 = tpu.memref_squeeze %dma_wait3A_15 : memref<1x640x128xf32, #tpu.memory_space<hbm>> -> memref<640x128xf32, #tpu.memory_space<hbm>>
      %dma_wait3A_17 = arith.constant 0 : i32
      %dma_wait3A_18 = tpu.memref_slice %arg10[%mul3A_8, %dma_wait3A_17] : memref<10240x128xf32, #tpu.memory_space<vmem_shared>> -> memref<640x128xf32, #tpu.memory_space<vmem_shared>>
      tpu.wait_dma2 semaphore(%run_scoped3A : memref<!tpu.dma_semaphore, #tpu.memory_space<semaphore_mem>>) src(%dma_wait3A_18 : memref<640x128xf32, #tpu.memory_space<vmem_shared>>) dst(%dma_wait3A_16 : memref<640x128xf32, #tpu.memory_space<hbm>>)
      tpu.yield
    }) : () -> ()
    return
  }
}

module attributes {stable_mosaic.version = 14 : i64} {
  func.func @body(%arg0: i32, %arg1: memref<1024x128xf32, #tpu.memory_space<vmem>>, %arg2: memref<1024x128xf32, #tpu.memory_space<vmem>>, %arg3: memref<1024x128xf32, #tpu.memory_space<vmem>>, %arg4: memref<128x128xf32, #tpu.memory_space<vmem>>, %arg5: memref<128x128xf32, #tpu.memory_space<vmem>>, %arg6: memref<1x128xf32, #tpu.memory_space<vmem>>, %arg7: memref<1024x128xf32, #tpu.memory_space<vmem>>) attributes {dimension_semantics = [#tpu.dimension_semantics<arbitrary>], iteration_bounds = array<i64: 10>, scalar_prefetch = 0 : i64, scratch_operands = 0 : i64, tpu.core_type = #tpu.core_type<tc>, window_params = [{transform_indices = @transform_0, window_bounds = array<i64: 1024, 128>}, {transform_indices = @transform_1, window_bounds = array<i64: 1024, 128>}, {transform_indices = @transform_2, window_bounds = array<i64: 1024, 128>}, {pipeline_mode = #tpu.pipeline_mode<synchronous>, transform_indices = @transform_3, window_bounds = array<i64: 128, 128>}, {pipeline_mode = #tpu.pipeline_mode<synchronous>, transform_indices = @transform_4, window_bounds = array<i64: 128, 128>}, {pipeline_mode = #tpu.pipeline_mode<synchronous>, transform_indices = @transform_5, window_bounds = array<i64: 1, 128>}, {transform_indices = @transform_6, window_bounds = array<i64: 1024, 128>}]} {
    %get3A = arith.constant 0 : index
    %get3A_0 = arith.constant 0 : index
    %get3A_1 = vector.load %arg1[%get3A, %get3A_0] : memref<1024x128xf32, #tpu.memory_space<vmem>>, vector<1024x128xf32>
    %get3A_2 = arith.constant 0 : index
    %get3A_3 = arith.constant 0 : index
    %get3A_4 = vector.load %arg4[%get3A_2, %get3A_3] : memref<128x128xf32, #tpu.memory_space<vmem>>, vector<128x128xf32>
    %dot_general3A = arith.constant dense<0.000000e+00> : vector<1024x128xf32>
    %dot_general3A_5 = tpu.matmul %get3A_1, %get3A_4, %dot_general3A {dimension_numbers = #tpu.dot_dimension_numbers<[1], [0], [0], [1], [0, 0, 1, 1], [], []>, precision = #tpu.contract_precision<fp32>, transpose_lhs_hint = false} : vector<1024x128xf32>, vector<128x128xf32>, vector<1024x128xf32> -> vector<1024x128xf32>
    %get3A_6 = arith.constant 0 : index
    %get3A_7 = arith.constant 0 : index
    %get3A_8 = vector.load %arg2[%get3A_6, %get3A_7] : memref<1024x128xf32, #tpu.memory_space<vmem>>, vector<1024x128xf32>
    %get3A_9 = arith.constant 0 : index
    %get3A_10 = arith.constant 0 : index
    %get3A_11 = vector.load %arg3[%get3A_9, %get3A_10] : memref<1024x128xf32, #tpu.memory_space<vmem>>, vector<1024x128xf32>
    %add3A = arith.addf %get3A_8, %get3A_11 : vector<1024x128xf32>
    %get3A_12 = arith.constant 0 : index
    %get3A_13 = arith.constant 0 : index
    %get3A_14 = vector.load %arg5[%get3A_12, %get3A_13] : memref<128x128xf32, #tpu.memory_space<vmem>>, vector<128x128xf32>
    %dot_general3A_15 = arith.constant dense<0.000000e+00> : vector<1024x128xf32>
    %dot_general3A_16 = tpu.matmul %add3A, %get3A_14, %dot_general3A_15 {dimension_numbers = #tpu.dot_dimension_numbers<[1], [0], [0], [1], [0, 0, 1, 1], [], []>, precision = #tpu.contract_precision<fp32>, transpose_lhs_hint = false} : vector<1024x128xf32>, vector<128x128xf32>, vector<1024x128xf32> -> vector<1024x128xf32>
    %add3A_17 = arith.addf %dot_general3A_5, %dot_general3A_16 : vector<1024x128xf32>
    %get3A_18 = arith.constant 0 : index
    %get3A_19 = arith.constant 0 : index
    %get3A_20 = vector.load %arg6[%get3A_18, %get3A_19] : memref<1x128xf32, #tpu.memory_space<vmem>>, vector<1x128xf32>
    %add3A_21 = vector.broadcast %get3A_20 : vector<1x128xf32> to vector<1024x128xf32>
    %add3A_22 = arith.addf %add3A_17, %add3A_21 : vector<1024x128xf32>
    %max3A = arith.constant 0.000000e+00 : f32
    %max3A_23 = vector.broadcast %max3A : f32 to vector<1024x128xf32>
    %max3A_24 = arith.maximumf %add3A_22, %max3A_23 : vector<1024x128xf32>
    %swap3A = arith.constant 0 : index
    %swap3A_25 = arith.constant 0 : index
    %swap3A_26 = vector.load %arg7[%swap3A, %swap3A_25] : memref<1024x128xf32, #tpu.memory_space<vmem>>, vector<1024x128xf32>
    tpu.vector_store %arg7[%swap3A, %swap3A_25], %max3A_24 {strides = array<i32>} : memref<1024x128xf32, #tpu.memory_space<vmem>>, vector<1024x128xf32>,
    return
  }
  func.func @transform_0(%arg0: i32) -> (i32, i32) {
    %c0_i32 = arith.constant 0 : i32
    %c0_i32_0 = arith.constant 0 : i32
    return %arg0, %c0_i32 : i32, i32
  }
  func.func @transform_1(%arg0: i32) -> (i32, i32) {
    %c0_i32 = arith.constant 0 : i32
    %c0_i32_0 = arith.constant 0 : i32
    return %arg0, %c0_i32 : i32, i32
  }
  func.func @transform_2(%arg0: i32) -> (i32, i32) {
    %c0_i32 = arith.constant 0 : i32
    %c0_i32_0 = arith.constant 0 : i32
    return %arg0, %c0_i32 : i32, i32
  }
  func.func @transform_3(%arg0: i32) -> (i32, i32) {
    %c0_i32 = arith.constant 0 : i32
    %c0_i32_0 = arith.constant 0 : i32
    %c0_i32_1 = arith.constant 0 : i32
    return %c0_i32, %c0_i32_0 : i32, i32
  }
  func.func @transform_4(%arg0: i32) -> (i32, i32) {
    %c0_i32 = arith.constant 0 : i32
    %c0_i32_0 = arith.constant 0 : i32
    %c0_i32_1 = arith.constant 0 : i32
    return %c0_i32, %c0_i32_0 : i32, i32
  }
  func.func @transform_5(%arg0: i32) -> (i32, i32) {
    %c0_i32 = arith.constant 0 : i32
    %c0_i32_0 = arith.constant 0 : i32
    %c0_i32_1 = arith.constant 0 : i32
    return %c0_i32, %c0_i32_0 : i32, i32
  }
  func.func @transform_6(%arg0: i32) -> (i32, i32) {
    %c0_i32 = arith.constant 0 : i32
    %c0_i32_0 = arith.constant 0 : i32
    return %arg0, %c0_i32 : i32, i32
  }
}

module attributes {stable_mosaic.version = 14 : i64} {
  func.func @body(%arg0: i32, %arg1: memref<1024x128xf32, #tpu.memory_space<vmem>>, %arg2: memref<1024x128xf32, #tpu.memory_space<vmem>>, %arg3: memref<1024x128xf32, #tpu.memory_space<vmem>>, %arg4: memref<128x128xf32, #tpu.memory_space<vmem>>, %arg5: memref<128x128xf32, #tpu.memory_space<vmem>>, %arg6: memref<1x128xf32, #tpu.memory_space<vmem>>, %arg7: memref<1x1024xi32, #tpu.memory_space<vmem>>, %arg8: memref<1024x128xf32, #tpu.memory_space<vmem>>, %arg9: memref<64x128xf32, #tpu.memory_space<vmem>>, %arg10: memref<64x128xf32, #tpu.memory_space<vmem>>, %arg11: memref<64x128xf32, #tpu.memory_space<vmem>>) attributes {dimension_semantics = [#tpu.dimension_semantics<arbitrary>], iteration_bounds = array<i64: 10>, scalar_prefetch = 0 : i64, scratch_operands = 2 : i64, tpu.core_type = #tpu.core_type<tc>, window_params = [{transform_indices = @transform_0, window_bounds = array<i64: 1024, 128>}, {transform_indices = @transform_1, window_bounds = array<i64: 1024, 128>}, {transform_indices = @transform_2, window_bounds = array<i64: 1024, 128>}, {pipeline_mode = #tpu.pipeline_mode<synchronous>, transform_indices = @transform_3, window_bounds = array<i64: 128, 128>}, {pipeline_mode = #tpu.pipeline_mode<synchronous>, transform_indices = @transform_4, window_bounds = array<i64: 128, 128>}, {pipeline_mode = #tpu.pipeline_mode<synchronous>, transform_indices = @transform_5, window_bounds = array<i64: 1, 128>}, {transform_indices = @transform_6, window_bounds = array<i64: 1, 1024>}, {transform_indices = @transform_7, window_bounds = array<i64: 1024, 128>}, {pipeline_mode = #tpu.pipeline_mode<synchronous>, transform_indices = @transform_8, window_bounds = array<i64: 64, 128>}]} {
    %get3A = arith.constant 0 : index
    %get3A_0 = arith.constant 0 : index
    %get3A_1 = vector.load %arg1[%get3A, %get3A_0] : memref<1024x128xf32, #tpu.memory_space<vmem>>, vector<1024x128xf32>
    %get3A_2 = arith.constant 0 : index
    %get3A_3 = arith.constant 0 : index
    %get3A_4 = vector.load %arg4[%get3A_2, %get3A_3] : memref<128x128xf32, #tpu.memory_space<vmem>>, vector<128x128xf32>
    %dot_general3A = arith.constant dense<0.000000e+00> : vector<1024x128xf32>
    %dot_general3A_5 = tpu.matmul %get3A_1, %get3A_4, %dot_general3A {dimension_numbers = #tpu.dot_dimension_numbers<[1], [0], [0], [1], [0, 0, 1, 1], [], []>, precision = #tpu.contract_precision<fp32>, transpose_lhs_hint = false} : vector<1024x128xf32>, vector<128x128xf32>, vector<1024x128xf32> -> vector<1024x128xf32>
    %get3A_6 = arith.constant 0 : index
    %get3A_7 = arith.constant 0 : index
    %get3A_8 = vector.load %arg2[%get3A_6, %get3A_7] : memref<1024x128xf32, #tpu.memory_space<vmem>>, vector<1024x128xf32>
    %get3A_9 = arith.constant 0 : index
    %get3A_10 = arith.constant 0 : index
    %get3A_11 = vector.load %arg3[%get3A_9, %get3A_10] : memref<1024x128xf32, #tpu.memory_space<vmem>>, vector<1024x128xf32>
    %add3A = arith.addf %get3A_8, %get3A_11 : vector<1024x128xf32>
    %get3A_12 = arith.constant 0 : index
    %get3A_13 = arith.constant 0 : index
    %get3A_14 = vector.load %arg5[%get3A_12, %get3A_13] : memref<128x128xf32, #tpu.memory_space<vmem>>, vector<128x128xf32>
    %dot_general3A_15 = arith.constant dense<0.000000e+00> : vector<1024x128xf32>
    %dot_general3A_16 = tpu.matmul %add3A, %get3A_14, %dot_general3A_15 {dimension_numbers = #tpu.dot_dimension_numbers<[1], [0], [0], [1], [0, 0, 1, 1], [], []>, precision = #tpu.contract_precision<fp32>, transpose_lhs_hint = false} : vector<1024x128xf32>, vector<128x128xf32>, vector<1024x128xf32> -> vector<1024x128xf32>
    %add3A_17 = arith.addf %dot_general3A_5, %dot_general3A_16 : vector<1024x128xf32>
    %get3A_18 = arith.constant 0 : index
    %get3A_19 = arith.constant 0 : index
    %get3A_20 = vector.load %arg6[%get3A_18, %get3A_19] : memref<1x128xf32, #tpu.memory_space<vmem>>, vector<1x128xf32>
    %add3A_21 = vector.broadcast %get3A_20 : vector<1x128xf32> to vector<1024x128xf32>
    %add3A_22 = arith.addf %add3A_17, %add3A_21 : vector<1024x128xf32>
    %max3A = arith.constant 0.000000e+00 : f32
    %max3A_23 = vector.broadcast %max3A : f32 to vector<1024x128xf32>
    %max3A_24 = arith.maximumf %add3A_22, %max3A_23 : vector<1024x128xf32>
    %swap3A = arith.constant 0 : index
    %swap3A_25 = arith.constant 0 : index
    %swap3A_26 = vector.load %arg8[%swap3A, %swap3A_25] : memref<1024x128xf32, #tpu.memory_space<vmem>>, vector<1024x128xf32>
    tpu.vector_store %arg8[%swap3A, %swap3A_25], %max3A_24 {strides = array<i32>} : memref<1024x128xf32, #tpu.memory_space<vmem>>, vector<1024x128xf32>,
    %eq3A = arith.constant 0 : i32
    %eq3A_27 = arith.cmpi eq, %arg0, %eq3A : i32
    %convert_element_type3A = arith.extui %eq3A_27 : i1 to i32
    %cond3A = arith.constant 0 : i32
    %cond3A_28 = arith.cmpi ne, %convert_element_type3A, %cond3A : i32
    scf.if %cond3A_28 {
      %broadcast_in_dim3A_60 = arith.constant 0.000000e+00 : f32
      %broadcast_in_dim3A_61 = vector.broadcast %broadcast_in_dim3A_60 : f32 to vector<64x128xf32>
      %swap3A_62 = arith.constant 0 : index
      %swap3A_63 = arith.constant 0 : index
      %swap3A_64 = vector.load %arg10[%swap3A_62, %swap3A_63] : memref<64x128xf32, #tpu.memory_space<vmem>>, vector<64x128xf32>
      tpu.vector_store %arg10[%swap3A_62, %swap3A_63], %broadcast_in_dim3A_61 {strides = array<i32>} : memref<64x128xf32, #tpu.memory_space<vmem>>, vector<64x128xf32>,
      %broadcast_in_dim3A_65 = arith.constant 0.000000e+00 : f32
      %broadcast_in_dim3A_66 = vector.broadcast %broadcast_in_dim3A_65 : f32 to vector<64x128xf32>
      %swap3A_67 = arith.constant 0 : index
      %swap3A_68 = arith.constant 0 : index
      %swap3A_69 = vector.load %arg11[%swap3A_67, %swap3A_68] : memref<64x128xf32, #tpu.memory_space<vmem>>, vector<64x128xf32>
      tpu.vector_store %arg11[%swap3A_67, %swap3A_68], %broadcast_in_dim3A_66 {strides = array<i32>} : memref<64x128xf32, #tpu.memory_space<vmem>>, vector<64x128xf32>,
    } else {
    }
    %iota3A = tpu.iota {dimensions = array<i32: 0>} : vector<64x1024xi32>
    %get3A_29 = arith.constant 0 : index
    %get3A_30 = arith.constant 0 : index
    %get3A_31 = vector.load %arg7[%get3A_29, %get3A_30] : memref<1x1024xi32, #tpu.memory_space<vmem>>, vector<1x1024xi32>
    %eq3A_32 = vector.broadcast %get3A_31 : vector<1x1024xi32> to vector<64x1024xi32>
    %eq3A_33 = arith.cmpi eq, %eq3A_32, %iota3A : vector<64x1024xi32>
    %convert_element_type3A_34 = arith.extui %eq3A_33 : vector<64x1024xi1> to vector<64x1024xi32>
    %convert_element_type3A_35 = arith.sitofp %convert_element_type3A_34 : vector<64x1024xi32> to vector<64x1024xf32>
    %get3A_36 = arith.constant 0 : index
    %get3A_37 = arith.constant 0 : index
    %get3A_38 = vector.load %arg10[%get3A_36, %get3A_37] : memref<64x128xf32, #tpu.memory_space<vmem>>, vector<64x128xf32>
    %dot_general3A_39 = arith.constant dense<0.000000e+00> : vector<64x128xf32>
    %dot_general3A_40 = tpu.matmul %convert_element_type3A_35, %max3A_24, %dot_general3A_39 {dimension_numbers = #tpu.dot_dimension_numbers<[1], [0], [0], [1], [0, 0, 1, 1], [], []>, precision = #tpu.contract_precision<fp32>, transpose_lhs_hint = false} : vector<64x1024xf32>, vector<1024x128xf32>, vector<64x128xf32> -> vector<64x128xf32>
    %add3A_41 = arith.addf %get3A_38, %dot_general3A_40 : vector<64x128xf32>
    %swap3A_42 = arith.constant 0 : index
    %swap3A_43 = arith.constant 0 : index
    %swap3A_44 = vector.load %arg10[%swap3A_42, %swap3A_43] : memref<64x128xf32, #tpu.memory_space<vmem>>, vector<64x128xf32>
    tpu.vector_store %arg10[%swap3A_42, %swap3A_43], %add3A_41 {strides = array<i32>} : memref<64x128xf32, #tpu.memory_space<vmem>>, vector<64x128xf32>,
    %get3A_45 = arith.constant 0 : index
    %get3A_46 = arith.constant 0 : index
    %get3A_47 = vector.load %arg11[%get3A_45, %get3A_46] : memref<64x128xf32, #tpu.memory_space<vmem>>, vector<64x128xf32>
    %reduce_sum3A = arith.constant dense<0.000000e+00> : vector<64xf32>
    %reduce_sum3A_48 = vector.multi_reduction <add>, %convert_element_type3A_35, %reduce_sum3A [1] : vector<64x1024xf32> to vector<64xf32>
    %broadcast_in_dim3A = vector.shape_cast %reduce_sum3A_48 : vector<64xf32> to vector<64x1xf32>
    %broadcast_in_dim3A_49 = vector.shape_cast %broadcast_in_dim3A : vector<64x1xf32> to vector<64x1xf32>
    %broadcast_in_dim3A_50 = vector.broadcast %broadcast_in_dim3A_49 : vector<64x1xf32> to vector<64x128xf32>
    %add3A_51 = arith.addf %get3A_47, %broadcast_in_dim3A_50 : vector<64x128xf32>
    %swap3A_52 = arith.constant 0 : index
    %swap3A_53 = arith.constant 0 : index
    %swap3A_54 = vector.load %arg11[%swap3A_52, %swap3A_53] : memref<64x128xf32, #tpu.memory_space<vmem>>, vector<64x128xf32>
    tpu.vector_store %arg11[%swap3A_52, %swap3A_53], %add3A_51 {strides = array<i32>} : memref<64x128xf32, #tpu.memory_space<vmem>>, vector<64x128xf32>,
    %eq3A_55 = arith.constant 9 : i32
    %eq3A_56 = arith.cmpi eq, %arg0, %eq3A_55 : i32
    %convert_element_type3A_57 = arith.extui %eq3A_56 : i1 to i32
    %cond3A_58 = arith.constant 0 : i32
    %cond3A_59 = arith.cmpi ne, %convert_element_type3A_57, %cond3A_58 : i32
    scf.if %cond3A_59 {
      %get3A_60 = arith.constant 0 : index
      %get3A_61 = arith.constant 0 : index
      %get3A_62 = vector.load %arg10[%get3A_60, %get3A_61] : memref<64x128xf32, #tpu.memory_space<vmem>>, vector<64x128xf32>
      %get3A_63 = arith.constant 0 : index
      %get3A_64 = arith.constant 0 : index
      %get3A_65 = vector.load %arg11[%get3A_63, %get3A_64] : memref<64x128xf32, #tpu.memory_space<vmem>>, vector<64x128xf32>
      %max3A_66 = arith.constant 1.000000e+00 : f32
      %max3A_67 = vector.broadcast %max3A_66 : f32 to vector<64x128xf32>
      %max3A_68 = arith.maximumf %get3A_65, %max3A_67 : vector<64x128xf32>
      %div3A = arith.divf %get3A_62, %max3A_68 : vector<64x128xf32>
      %swap3A_69 = arith.constant 0 : index
      %swap3A_70 = arith.constant 0 : index
      %swap3A_71 = vector.load %arg9[%swap3A_69, %swap3A_70] : memref<64x128xf32, #tpu.memory_space<vmem>>, vector<64x128xf32>
      tpu.vector_store %arg9[%swap3A_69, %swap3A_70], %div3A {strides = array<i32>} : memref<64x128xf32, #tpu.memory_space<vmem>>, vector<64x128xf32>,
    } else {
    }
    return
  }
  func.func @transform_0(%arg0: i32) -> (i32, i32) {
    %c0_i32 = arith.constant 0 : i32
    %c0_i32_0 = arith.constant 0 : i32
    return %arg0, %c0_i32 : i32, i32
  }
  func.func @transform_1(%arg0: i32) -> (i32, i32) {
    %c0_i32 = arith.constant 0 : i32
    %c0_i32_0 = arith.constant 0 : i32
    return %arg0, %c0_i32 : i32, i32
  }
  func.func @transform_2(%arg0: i32) -> (i32, i32) {
    %c0_i32 = arith.constant 0 : i32
    %c0_i32_0 = arith.constant 0 : i32
    return %arg0, %c0_i32 : i32, i32
  }
  func.func @transform_3(%arg0: i32) -> (i32, i32) {
    %c0_i32 = arith.constant 0 : i32
    %c0_i32_0 = arith.constant 0 : i32
    %c0_i32_1 = arith.constant 0 : i32
    return %c0_i32, %c0_i32_0 : i32, i32
  }
  func.func @transform_4(%arg0: i32) -> (i32, i32) {
    %c0_i32 = arith.constant 0 : i32
    %c0_i32_0 = arith.constant 0 : i32
    %c0_i32_1 = arith.constant 0 : i32
    return %c0_i32, %c0_i32_0 : i32, i32
  }
  func.func @transform_5(%arg0: i32) -> (i32, i32) {
    %c0_i32 = arith.constant 0 : i32
    %c0_i32_0 = arith.constant 0 : i32
    %c0_i32_1 = arith.constant 0 : i32
    return %c0_i32, %c0_i32_0 : i32, i32
  }
  func.func @transform_6(%arg0: i32) -> (i32, i32) {
    %c0_i32 = arith.constant 0 : i32
    %c0_i32_0 = arith.constant 0 : i32
    return %c0_i32, %arg0 : i32, i32
  }
  func.func @transform_7(%arg0: i32) -> (i32, i32) {
    %c0_i32 = arith.constant 0 : i32
    %c0_i32_0 = arith.constant 0 : i32
    return %arg0, %c0_i32 : i32, i32
  }
  func.func @transform_8(%arg0: i32) -> (i32, i32) {
    %c0_i32 = arith.constant 0 : i32
    %c0_i32_0 = arith.constant 0 : i32
    %c0_i32_1 = arith.constant 0 : i32
    return %c0_i32, %c0_i32_0 : i32, i32
  }
}

</mosaic_0001>

<sc_bundles>
// kernel: kernel.6.cloned.1.call-start
scs
__scs_entry_jumppad:
0x0: {  	(pc) =	sbr.rel $0x88, $3  }
0x1: {  	(tag) =	ssettag $0x0;
	lr =	simm.s32 $0x1  }
0x2: {  	[smem:$0x3F98] =	sst lr;
	_ =	strace $0xD0000000  }
0x3: {  	_ = 	snop  }
0x4: {  	_ = 	snop  }
0x5: {  	_ = 	snop  }
0x6: {  	_ = 	snop  }
0x7: {  	_ = 	snop  }
__scs_overlays_trampoline_lowered:
0x8: {  	[smem:$0x3FA7] =	sst s0  }
0x9: {  	[smem:$0x3FA8] =	sst s1  }
0xa: {  	[smem:$0x3FA9] =	sst s2  }
0xb: {  	[smem:$0x3FAA] =	sst s3  }
0xc: {  	[smem:$0x3FAB] =	sst s4  }
0xd: {  	[smem:$0x3FAC] =	sst s5  }
0xe: {  	[smem:$0x3FAD] =	sst s6  }
0xf: {  	[smem:$0x3FAE] =	sst s7  }
0x10: {  	[smem:$0x3FAF] =	sst s8  }
0x11: {  	[smem:$0x3FB0] =	sst s9;
	s0 =	simm.s32 @!p0 $0x0  }
0x12: {  	s1 =	sld [smem:$0x3F96];
	s0 =	simm.s32 @p0 $0x1  }
0x13: {  	[smem:$0x3FB1] =	sst s0;
	s0 =	simm.s32 @!p1 $0x0  }
0x14: {  	s2 =	sld [smem:$0x3F95];
	s0 =	simm.s32 @p1 $0x1  }
0x15: {  	[smem:$0x3FB2] =	sst s0;
	s0 =	simm.s32 @!p2 $0x0  }
0x16: {  	s3 =	sld [smem:$0x3FDB];
	s0 =	simm.s32 @p2 $0x1  }
0x17: {  	s4 =	simm.s32 $0x1BF5;
	[smem:$0x3FB4] =	sst s0  }
0x18: {  	s0 =	sld [smem:$0x3F97];
	_ =	swait.ge [sflag:s4], $0x0  }
0x19: {  	s7 =	sld [smem:$0x3F98]  }
0x1a: {  	s8 =	sadd.s32 $0xFFFFE003, lr  }
0x1b: {  	s9 =	sadd.s32 $0xFFFFFEF7, lr;
	s5 =	simm.s32 $0xFFFFFFFF;
	p2 =	slt.u32 s8, $0xFFFFF086  }
0x1c: {  	p1 =	slt.u32 s9, $0xF7A;
	s5 =	simm.s32 @!p2 $0x0  }
0x1d: {  	s5 =	simm.s32 @p1 $0x1;
	p0 =	seq.s32 s7, s2  }
0x1e: {  	s7 =	smul.u32 @!p0 $0xF7A, s2;
	p2 =	seq.s32 @!p0 s5, $0x0  }
0x1f: {  	s9 =	smul.u32 $0xF7A, s1;
	s8 =	simm.s32 @!p0 $0x1BF5;
	p2 =	por !p2, p0  }
0x20: {  	[sflag:s8] =	ssyncset.s32 @!p0 $0xFFFFF086;
	s6 =	sadd.s32 @!p0 s3, s7;
	s7 =	simm.s32 @!p0 $0x108  }
0x21: {  	s3 =	sadd.s32 s3, s9;
	s6 =	sadd.s32 @!p0 $0x88, s6;
	s7 =	simm.s32 @p2 $0x1082  }
0x22: {  	[simem:s7], [sflag:s8] =	dma.local @!p0 [hbm:s6], $0xF7A  }
0x23: {  	s9 =	sor.u32 $0xD0000000, s2;
	s6 =	simm.s32 $0x108;
	_ =	swait.ge @!p0 [sflag:s8], $0x0  }
0x24: {  	s3 =	sadd.s32 $0x88, s3;
	s6 =	simm.s32 @!p1 $0x1082;
	[sflag:s4] =	ssyncset.s32 $0xFFFFF086  }
0x25: {  	[simem:s6], [sflag:s4] =	dma.local [hbm:s3], $0xF7A  }
0x26: {  	[smem:$0x3F98] =	sst s1;
	(tag) =	ssettag s2;
	_ =	strace s9  }
0x27: {  	s1 =	sld [smem:$0x3FA8]  }
0x28: {  	s2 =	sld [smem:$0x3FA9]  }
0x29: {  	s4 =	sld [smem:$0x3FAB]  }
0x2a: {  	p0 =	seq.s32 s5, $0x0;
	s5 =	sld [smem:$0x3FAC]  }
0x2b: {  	s6 =	sld [smem:$0x3FAD]  }
0x2c: {  	s7 =	sld [smem:$0x3FAE]  }
0x2d: {  	s3 =	simm.s32 $0x108;
	s8 =	sld [smem:$0x3FAF]  }
0x2e: {  	s3 =	simm.s32 @!p0 $0x1082;
	s9 =	sld [smem:$0x3FB0]  }
0x2f: {  	lr =	sadd.s32 s0, s3;
	s0 =	sld [smem:$0x3FA7]  }
0x30: {  	s3 =	sld [smem:$0x3FAA]  }
0x31: {  	[smem:$0x3FB3] =	sst s10  }
0x32: {  	s10 =	sld [smem:$0x3FB1];
	_ =	sdelay $0x3  }
0x33: {  	p0 =	seq.s32 s10, $0x1;
	s10 =	sld [smem:$0x3FB3];
	_ =	sdelay $0x3  }
0x34: {  	[smem:$0x3FB3] =	sst s10  }
0x35: {  	s10 =	sld [smem:$0x3FB2];
	_ =	sdelay $0x3  }
0x36: {  	p1 =	seq.s32 s10, $0x1;
	s10 =	sld [smem:$0x3FB3];
	_ =	sdelay $0x3  }
0x37: {  	[smem:$0x3FB3] =	sst s10  }
0x38: {  	s10 =	sld [smem:$0x3FB4]  }
0x39: {  	_ = 	snop;
	(pc) =	sbr.ind lr, $3  }
0x3a: {  	_ = 	snop  }
0x3b: {  	_ = 	snop  }
0x3c: {  	p2 =	seq.s32 s10, $0x1;
	s10 =	sld [smem:$0x3FB3]  }
0x3d: {  	_ =	shalt  }
0x3e: {  	_ =	shalt  }
0x3f: {  	_ =	shalt  }
0x40: {  	_ =	shalt  }
0x41: {  	_ =	shalt  }
0x42: {  	_ =	shalt  }
0x43: {  	_ =	shalt  }
0x44: {  	_ =	shalt  }
0x45: {  	_ =	shalt  }
0x46: {  	_ =	shalt  }
0x47: {  	_ =	shalt  }
0x48: {  	_ =	shalt  }
0x49: {  	_ =	shalt  }
0x4a: {  	_ =	shalt  }
0x4b: {  	_ =	shalt  }
0x4c: {  	_ =	shalt  }
0x4d: {  	_ =	shalt  }
0x4e: {  	_ =	shalt  }
0x4f: {  	_ =	shalt  }
0x50: {  	_ =	shalt  }
0x51: {  	_ =	shalt  }
0x52: {  	_ =	shalt  }
0x53: {  	_ =	shalt  }
0x54: {  	_ =	shalt  }
0x55: {  	_ =	shalt  }
0x56: {  	_ =	shalt  }
0x57: {  	_ =	shalt  }
0x58: {  	_ =	shalt  }
0x59: {  	_ =	shalt  }
0x5a: {  	_ =	shalt  }
0x5b: {  	_ =	shalt  }
0x5c: {  	_ =	shalt  }
0x5d: {  	_ =	shalt  }
0x5e: {  	_ =	shalt  }
0x5f: {  	_ =	shalt  }
0x60: {  	_ =	shalt  }
0x61: {  	_ =	shalt  }
0x62: {  	_ =	shalt  }
0x63: {  	_ =	shalt  }
0x64: {  	_ =	shalt  }
0x65: {  	_ =	shalt  }
0x66: {  	_ =	shalt  }
0x67: {  	_ =	shalt  }
0x68: {  	_ =	shalt  }
0x69: {  	_ =	shalt  }
0x6a: {  	_ =	shalt  }
0x6b: {  	_ =	shalt  }
0x6c: {  	_ =	shalt  }
0x6d: {  	_ =	shalt  }
0x6e: {  	_ =	shalt  }
0x6f: {  	_ =	shalt  }
0x70: {  	_ =	shalt  }
0x71: {  	_ =	shalt  }
0x72: {  	_ =	shalt  }
0x73: {  	_ =	shalt  }
0x74: {  	_ =	shalt  }
0x75: {  	_ =	shalt  }
0x76: {  	_ =	shalt  }
0x77: {  	_ =	shalt  }
0x78: {  	_ =	shalt  }
0x79: {  	_ =	shalt  }
0x7a: {  	_ =	shalt  }
0x7b: {  	_ =	shalt  }
0x7c: {  	_ =	shalt  }
0x7d: {  	_ =	shalt  }
0x7e: {  	_ =	shalt  }
0x7f: {  	_ =	shalt  }
0x80: {  	_ =	shalt  }
0x81: {  	_ =	shalt  }
0x82: {  	_ =	shalt  }
0x83: {  	_ =	shalt  }
0x84: {  	_ =	shalt  }
0x85: {  	_ =	shalt  }
0x86: {  	_ =	shalt  }
0x87: {  	_ =	shalt  }
.Lfunc_end0:
.L_simem_size_0:
called_computation_lowered:
.L_overlay_start_0:
0x88: {  	s2 =	sld [smem:$0x3FD9]  }
0x89: {  	s3 =	sld [smem:$0x3FFE];
	_ =	sdelay $0x1  }
0x8a: {  	s1 =	srdreg.scid  }
0x8b: {  	s0 =	sand.u32 $0x1, s1  }
0x8c: {  	s14 =	sshll.u32 s0, $0xA;
	s2 =	sadd.s32 s3, s2  }
0x8d: {  	s2 =	sadd.s32 s2, s14  }
0x8e: {  	[smem:$0x3FBF] =	sst s2  }
0x8f: {  	_ = 	snop  }
0x90: {  	s2 =	sld [smem:$0x3FD0];
	_ =	sdelay $0x2  }
0x91: {  	s15 =	simm.s32 $0xA;
	s4 =	simm.s32 $0x10  }
0x92: {  	[smem:s4], [sflag:s15] =	dma.local [hbm:s2], $0x1  }
0x93: {  	_ =	swait.eq [sflag:s15], $0x1  }
0x94: {  	[sflag:s15] =	ssyncset.done $0x0  }
0x95: {  	[sflag:s15] =	ssyncadd.s32 $0xFFFFFFFF  }
0x96: {  	s16 =	sld [smem:$0x10];
	(tm) =	ssettm $0x1  }
0x97: {  	s17 =	sld [smem:$0x3FFB];
	_ =	sdelay $0x3  }
0x98: {  	_ =	strace s17  }
0x99: {  	s3 =	sld [smem:$0x3FFC];
	_ =	sdelay $0x3  }
0x9a: {  	_ =	strace s3  }
0x9b: {  	s3 =	sld [smem:$0x3FFD];
	_ =	sdelay $0x3  }
0x9c: {  	_ =	strace s3  }
0x9d: {  	_ =	strace $0x8FFFFFFF  }
0x9e: {  	s18 =	sld [smem:$0x3FDB];
	_ =	sdelay $0x1  }
0x9f: {  	s19 =	simm.s32 $_scs_section_size  }
0xa0: {  	s5 =	simm.s32 $_size__tile_overlayer_lowered;
	s6 =	simm.s32 $_tile_overlayer_lowered  }
0xa1: {  	s22 =	simm.s32 $0x1BFF;
	s21 =	sshll.u32 s6, $0x1;
	s3 =	sadd.s32 s19, s18  }
0xa2: {  	s7 =	simm.s32 $0x0;
	s20 =	sshll.u32 s5, $0x1;
	s5 =	sadd.s32 s21, s3  }
0xa3: {  	[timem:s7], [sflag:s22] =	dma.local [hbm:s5], s20  }
0xa4: {  	_ =	swait.ge [sflag:s22], s20  }
0xa5: {  	s4 =	ssub.s32 $0x0, s20;
	[sflag:s22] =	ssyncset.done $0x0  }
0xa6: {  	[sflag:s22] =	ssyncadd.s32 s4;
	_ =	sdelay $0x1  }
0xa7: {  	s23 =	simm.s32 $0x1B8B  }
0xa8: {  	_ =	swait.ge [sflag:s23], $0x1  }
0xa9: {  	[sflag:s23] =	ssyncset.done $0x0  }
0xaa: {  	s25 =	simm.s32 $0x1B8E;
	s24 =	sld [smem:$0x3FFE];
	[sflag:s23] =	ssyncadd.s32 $0xFFFFFFFF  }
0xab: {  	s26 =	simm.s32 $execute0_lowered;
	[smem:$0x3FD2] =	sst s25  }
0xac: {  	s5 =	sshll.u32 s26, $0x1;
	_ =	strace $0x80000046;
	[dreg:$0x1] =	wrdreg $0xFFFFFFFF  }
0xad: {  	s28 =	simm.s32 $_size_execute0_lowered;
	s3 =	sadd.s32 s3, s5;
	[dreg:$0x0] =	wrdreg $0x0  }
0xae: {  	s5 =	sshll.u32 s28, $0x1;
	[dreg:$0x2] =	wrdreg s3  }
0xaf: {  	[dreg:$0x3] =	wrdreg s5  }
0xb0: {  	[dreg:$0x4] =	wrdreg $0xC0  }
0xb1: {  	_ =	task [dreg:s7], $0x5FFFF  }
0xb2: {  	[dreg:$0x1] =	wrdreg $0xFFFFFFFF  }
0xb3: {  	[dreg:$0x0] =	wrdreg $0x60  }
0xb4: {  	[dreg:$0x2] =	wrdreg s24  }
0xb5: {  	[dreg:$0x3] =	wrdreg s16  }
0xb6: {  	[dreg:$0x4] =	wrdreg $0x90000  }
0xb7: {  	[dreg:$0x5] =	wrdreg $0x9  }
0xb8: {  	_ =	task.clear_ibuf [dreg:s7], $0x6FFFF;
	_ =	strace $0x90000046  }
0xb9: {  	s29 =	simm.s32 $0x9;
	_ =	strace $0x80000048  }
0xba: {  	_ =	swait.ge [sflag:s29], $0x1  }
0xbb: {  	[sflag:s29] =	ssyncadd.s32 $0xFFFFFFFF  }
0xbc: {  	_ =	strace $0x90000048  }
0xbd: {  	_ =	sfence  }
0xbe: {  	s30 =	sld [smem:$0x0];
	_ =	sdelay $0x2  }
0xbf: {  	s31 =	sshll.u32 s1, $0xD;
	s1 =	sshrl.u32 s1, $0x2  }
0xc0: {  	s3 =	sand.u32 $0x4000, s31;
	s1 =	sadd.s32 s1, s30  }
0xc1: {  	s0 =	sor.u32 s3, s0;
	s1 =	sshll.u32 s1, $0x11  }
0xc2: {  	s0 =	sor.u32 s1, s0  }
0xc3: {  	s0 =	sadd.s32 $0x8F2B, s0  }
0xc4: {  	[sflag:s0] =	ssyncadd.remote.s32 $0x1  }
0xc5: {  	_ =	sfence.sel $0xFFFF  }
0xc6: {  	[dreg:$0x0] =	wrdreg $0xFFFFFFFF;
	(pc) =	sbr.abs _section_cstart, $3  }
0xc7: {  	[dreg:$0x1] =	wrdreg $0xFFFFFFFF  }
0xc8: {  	_ =	task.clear_ibuf [dreg:s7], $0x2FFFF;
	_ =	strace $0x9FFFFFFF  }
0xc9: {  	(tm) =	ssettm $0x7FFFFFFF  }
tec
execute0_lowered:
.L_overlay_start_1:
0x0: {  	(tag) =	ssettag $0x1  }
0x1: {  	s6 =	rddreg [dreg:$0x0]  }
0x2: {  	s7 =	rddreg [dreg:$0x1]  }
0x3: {  	s0 =	srdreg.scid;
	s2 =	rddreg [dreg:$0x2]  }
0x4: {  	s1 =	rddreg [dreg:$0x3];
	s8 =	sand.u32 $0x1, s0  }
0x5: {  	s0 =	stileid.u32;
	s4 =	smul.u32 $0x28000, s8  }
0x6: {  	s3 =	simm.s32 $0x0;
	s15 =	simm.s32 $0x5000;
	s5 =	smul.u32 $0x2800, s0  }
0x7: {  	s16 =	simm.s32 $0x1;
	[smem:$0x7FF] =	sst s3;
	s9 =	smul.u32 $0x140000, s8  }
0x8: {  	s17 =	simm.s32 $0x0;
	s10 =	smul.u32 $0x14000, s0;
	_ =	strace $0x80000047  }
0x9: {  	s29 =	smul.u32 $0x50000, s0;
	s8 =	ssub.s32 $0x2, s8;
	s31 =	sshll.u32 s0, $0x6  }
0xa: {  	s30 =	sshrl.u32 s8, $0x1;
	s5 =	sadd.s32 s5, s4;
	s4 =	sadd.s32 $0xCE00, s6  }
0xb: {  	s9 =	sadd.s32 s10, s9;
	s10 =	sshrl.u32 s29, $0x2;
	s13 =	ssub.s32 s8, s30  }
0xc: {  	s11 =	sshrl.u32 s5, $0x3;
	s5 =	sadd.s32 $0x34E00, s6;
	s9 =	sshrl.u32 s9, $0x3  }
0xd: {  	s14 =	sadd.s32 s10, s2;
	s10 =	smax.u32 s13, $0x1;
	s13 =	simm.s32 $0x2800  }
0xe: {  	s12 =	sadd.s32 s11, s6;
	s9 =	sadd.s32 s9, s6;
	s6 =	sor.u32 $0x1C02, s31  }
0xf: {  	s7 =	sadd.s32 s7, s11;
	s11 =	sshrl.u32 s14, $0x3;
	s14 =	simm.s32 $0x80  }
0x10: {  	s8 =	sadd.s32 $0x2E00, s12;
	s9 =	sadd.s32 $0x37600, s9;
	s12 =	simm.s32 $0x2  }
.LBB2_1:
0x11: {  	[spmem:s11], [sflag:s6] =	dma.local [hbm:s5], $0x2800  }
0x12: {  	_ =	swait.ge [sflag:s12], $0x2800  }
0x13: {  	[sflag:s12] =	ssyncset.done $0x0  }
0x14: {  	[sflag:s12] =	ssyncadd.s32 $0xFFFFD800  }
0x15: {  	[tilespmem:s3], [sflag:$0x2] =	stream.linear.gather [hbm4b:s7+s3], $0x2780, $0x38;
	[tilespmem:$0x1D000] =	vst v63  }
0x16: {  	_ =	swait.ge [sflag:s12], $0x2780  }
0x17: {  	[sflag:s12] =	ssyncset.done $0x0  }
0x18: {  	[sflag:s12] =	ssyncadd.s32 $0xFFFFD880  }
0x19: {  	[tilespmem:s13], [sflag:$0x2] =	stream.linear.gather [hbm4b:s8+s3], $0x2780, $0x38;
	[tilespmem:$0x1D000] =	vst v63  }
0x1a: {  	_ =	swait.ge [sflag:s12], $0x2780  }
0x1b: {  	[sflag:s12] =	ssyncset.done $0x0  }
0x1c: {  	[sflag:s12] =	ssyncadd.s32 $0xFFFFD880  }
0x1d: {  	s18 =	simm.s32 $0x0;
	[bflag:$0x0] =	sbarrier.arrive $0xFFFF  }
0x1e: {  	[tilespmem:s15], [sflag:$0x1] =	stream.indirect.gather [hbm4b:s4+s14], $0x80, s18, s14, $0xb8;
	[tilespmem:$0x1D000] =	vst v63  }
0x1f: {  	_ =	swait.ge [sflag:s16], $0x4000  }
0x20: {  	[sflag:s16] =	ssyncset.done $0x0  }
0x21: {  	s31 =	simm.s32 $0x2800;
	[sflag:s16] =	ssyncadd.s32 $0xFFFFC000  }
0x22: {  	[spmem:s2] =	stream.indirect.scatter.add.f32 [tilespmem:s15], [sflag:$0x2], $0x80, s31, s14, $0xb8;
	[tilespmem:$0x1D000] =	vst v63  }
0x23: {  	_ =	swait.ge [sflag:s12], $0x4000  }
0x24: {  	s19 =	simm.s32 $0x400;
	s18 =	simm.s32 $0x200;
	[sflag:s12] =	ssyncset.done $0x0  }
.LBB2_2:
0x25: {  	s20 =	sshra.s32 s18, $0x2  }
0x26: {  	[sflag:s12] =	ssyncadd.s32 $0xFFFFC000;
	s18 =	smov.u32 s19;
	s21 =	sadd.s32 $0x200, s19  }
0x27: {  	[tilespmem:s15], [sflag:$0x1] =	stream.indirect.gather [hbm4b:s4+s14], $0x80, s20, s14, $0xb8;
	[tilespmem:$0x1D000] =	vst v63  }
0x28: {  	p0 =	sne.s32 s19, $0x9C00;
	_ =	swait.ge [sflag:s16], $0x4000  }
.Ltmp0:
0x29: {  	[sflag:s16] =	ssyncset.done $0x0;
	(pc) =	sbr.rel @p0 .LBB2_2-.Ltmp0, $4  }
0x2a: {  	s19 =	sadd.s32 $0x2800, s20;
	[sflag:s16] =	ssyncadd.s32 $0xFFFFC000  }
0x2b: {  	[spmem:s2] =	stream.indirect.scatter.add.f32 [tilespmem:s15], [sflag:$0x2], $0x80, s19, s14, $0xb8;
	[tilespmem:$0x1D000] =	vst v63  }
0x2c: {  	_ =	swait.ge [sflag:s12], $0x4000  }
0x2d: {  	s19 =	smov.u32 s21;
	[sflag:s12] =	ssyncset.done $0x0  }
0x2e: {  	s18 =	sshra.s32 s18, $0x2;
	[sflag:s12] =	ssyncadd.s32 $0xFFFFC000  }
0x2f: {  	[tilespmem:s15], [sflag:$0x1] =	stream.indirect.gather [hbm4b:s4+s14], $0x80, s18, s14, $0xb8;
	[tilespmem:$0x1D000] =	vst v63  }
0x30: {  	_ =	swait.ge [sflag:s16], $0x4000  }
0x31: {  	[sflag:s16] =	ssyncset.done $0x0  }
0x32: {  	s18 =	sadd.s32 $0x2800, s18;
	[sflag:s16] =	ssyncadd.s32 $0xFFFFC000  }
0x33: {  	[spmem:s2] =	stream.indirect.scatter.add.f32 [tilespmem:s15], [sflag:$0x2], $0x80, s18, s14, $0xb8;
	[tilespmem:$0x1D000] =	vst v63  }
0x34: {  	_ =	swait.ge [sflag:s12], $0x4000  }
0x35: {  	s17 =	sadd.s32 $0x1, s17;
	[sflag:s12] =	ssyncset.done $0x0  }
0x36: {  	p0 =	sne.s32 s17, s10;
	[sflag:s12] =	ssyncadd.s32 $0xFFFFC000  }
.Ltmp1:
0x37: {  	[bflag:$0x0] =	sbarrier.arrive $0xFFFF;
	(pc) =	sbr.rel @p0 .LBB2_1-.Ltmp1, $4  }
0x38: {  	[hbm:s9], [sflag:s6] =	dma.local [spmem:s11], $0x2800  }
0x39: {  	_ =	swait.ge [sflag:s12], $0x2800  }
0x3a: {  	[sflag:s12] =	ssyncset.done $0x0  }
0x3b: {  	[sflag:s12] =	ssyncadd.s32 $0xFFFFD800  }
0x3c: {  	_ =	sfence.sel $0x180000  }
0x3d: {  	[bflag:$0x0] =	sbarrier.arrive $0xFFFF  }
0x3e: {  	p0 =	sne.s32 s0, $0x0;
	_ =	strace $0x90000047  }
0x3f: {  	s0 =	sadd.s32 @!p0 $0x100000, s1;
	[bflag:$0x2] =	sbarrier.arrive $0xFFFF  }
0x40: {  	[sflag:s0] =	ssyncadd.tile.s32 @!p0 $0x1;
	_ =	shalt  }
.Lfunc_end2:
_tile_overlayer_lowered:
.L_overlay_start_2:
0x41: {  	(tag) =	ssettag $0x2  }
0x42: {  	s0 =	rddreg [dreg:$0x0];
	s2 =	stileid.u32  }
0x43: {  	s1 =	rddreg [dreg:$0x1];
	p0 =	sne.s32 s2, $0x0  }
0x44: {  	s3 =	rddreg [dreg:$0x2];
	[bflag:$0x3] =	sbarrier.arrive $0xFFFF;
	s2 =	simm.s32 @!p0 $0x1C02  }
0x45: {  	[timem:s3], [sflag:s2] =	dma.local @!p0 [hbm:s0], s1  }
0x46: {  	s0 =	simm.s32 @!p0 $0x2  }
0x47: {  	_ =	swait.ge @!p0 [sflag:s0], s1  }
0x48: {  	s1 =	ssub.s32 @!p0 $0x0, s1;
	[sflag:s0] =	ssyncset.done @!p0 $0x0  }
0x49: {  	[sflag:s0] =	ssyncadd.s32 @!p0 s1  }
0x4a: {  	[bflag:$0x3] =	sbarrier.arrive $0xFFFF  }
0x4b: {  	_ =	shalt  }

// kernel: kernel.9.cloned.1.call-start
scs
__scs_entry_jumppad:
0x0: {  	(pc) =	sbr.rel $0x88, $3  }
0x1: {  	(tag) =	ssettag $0x0;
	lr =	simm.s32 $0x1  }
0x2: {  	[smem:$0x3F98] =	sst lr;
	_ =	strace $0xD0000000  }
0x3: {  	_ = 	snop  }
0x4: {  	_ = 	snop  }
0x5: {  	_ = 	snop  }
0x6: {  	_ = 	snop  }
0x7: {  	_ = 	snop  }
__scs_overlays_trampoline_lowered:
0x8: {  	[smem:$0x3FA7] =	sst s0  }
0x9: {  	[smem:$0x3FA8] =	sst s1  }
0xa: {  	[smem:$0x3FA9] =	sst s2  }
0xb: {  	[smem:$0x3FAA] =	sst s3  }
0xc: {  	[smem:$0x3FAB] =	sst s4  }
0xd: {  	[smem:$0x3FAC] =	sst s5  }
0xe: {  	[smem:$0x3FAD] =	sst s6  }
0xf: {  	[smem:$0x3FAE] =	sst s7  }
0x10: {  	[smem:$0x3FAF] =	sst s8  }
0x11: {  	[smem:$0x3FB0] =	sst s9;
	s0 =	simm.s32 @!p0 $0x0  }
0x12: {  	s1 =	sld [smem:$0x3F96];
	s0 =	simm.s32 @p0 $0x1  }
0x13: {  	[smem:$0x3FB1] =	sst s0;
	s0 =	simm.s32 @!p1 $0x0  }
0x14: {  	s2 =	sld [smem:$0x3F95];
	s0 =	simm.s32 @p1 $0x1  }
0x15: {  	[smem:$0x3FB2] =	sst s0;
	s0 =	simm.s32 @!p2 $0x0  }
0x16: {  	s3 =	sld [smem:$0x3FDB];
	s0 =	simm.s32 @p2 $0x1  }
0x17: {  	s4 =	simm.s32 $0x1BF5;
	[smem:$0x3FB4] =	sst s0  }
0x18: {  	s0 =	sld [smem:$0x3F97];
	_ =	swait.ge [sflag:s4], $0x0  }
0x19: {  	s7 =	sld [smem:$0x3F98]  }
0x1a: {  	s8 =	sadd.s32 $0xFFFFE003, lr  }
0x1b: {  	s9 =	sadd.s32 $0xFFFFFEF7, lr;
	s5 =	simm.s32 $0xFFFFFFFF;
	p2 =	slt.u32 s8, $0xFFFFF086  }
0x1c: {  	p1 =	slt.u32 s9, $0xF7A;
	s5 =	simm.s32 @!p2 $0x0  }
0x1d: {  	s5 =	simm.s32 @p1 $0x1;
	p0 =	seq.s32 s7, s2  }
0x1e: {  	s7 =	smul.u32 @!p0 $0xF7A, s2;
	p2 =	seq.s32 @!p0 s5, $0x0  }
0x1f: {  	s9 =	smul.u32 $0xF7A, s1;
	s8 =	simm.s32 @!p0 $0x1BF5;
	p2 =	por !p2, p0  }
0x20: {  	[sflag:s8] =	ssyncset.s32 @!p0 $0xFFFFF086;
	s6 =	sadd.s32 @!p0 s3, s7;
	s7 =	simm.s32 @!p0 $0x108  }
0x21: {  	s3 =	sadd.s32 s3, s9;
	s6 =	sadd.s32 @!p0 $0x88, s6;
	s7 =	simm.s32 @p2 $0x1082  }
0x22: {  	[simem:s7], [sflag:s8] =	dma.local @!p0 [hbm:s6], $0xF7A  }
0x23: {  	s9 =	sor.u32 $0xD0000000, s2;
	s6 =	simm.s32 $0x108;
	_ =	swait.ge @!p0 [sflag:s8], $0x0  }
0x24: {  	s3 =	sadd.s32 $0x88, s3;
	s6 =	simm.s32 @!p1 $0x1082;
	[sflag:s4] =	ssyncset.s32 $0xFFFFF086  }
0x25: {  	[simem:s6], [sflag:s4] =	dma.local [hbm:s3], $0xF7A  }
0x26: {  	[smem:$0x3F98] =	sst s1;
	(tag) =	ssettag s2;
	_ =	strace s9  }
0x27: {  	s1 =	sld [smem:$0x3FA8]  }
0x28: {  	s2 =	sld [smem:$0x3FA9]  }
0x29: {  	s4 =	sld [smem:$0x3FAB]  }
0x2a: {  	p0 =	seq.s32 s5, $0x0;
	s5 =	sld [smem:$0x3FAC]  }
0x2b: {  	s6 =	sld [smem:$0x3FAD]  }
0x2c: {  	s7 =	sld [smem:$0x3FAE]  }
0x2d: {  	s3 =	simm.s32 $0x108;
	s8 =	sld [smem:$0x3FAF]  }
0x2e: {  	s3 =	simm.s32 @!p0 $0x1082;
	s9 =	sld [smem:$0x3FB0]  }
0x2f: {  	lr =	sadd.s32 s0, s3;
	s0 =	sld [smem:$0x3FA7]  }
0x30: {  	s3 =	sld [smem:$0x3FAA]  }
0x31: {  	[smem:$0x3FB3] =	sst s10  }
0x32: {  	s10 =	sld [smem:$0x3FB1];
	_ =	sdelay $0x3  }
0x33: {  	p0 =	seq.s32 s10, $0x1;
	s10 =	sld [smem:$0x3FB3];
	_ =	sdelay $0x3  }
0x34: {  	[smem:$0x3FB3] =	sst s10  }
0x35: {  	s10 =	sld [smem:$0x3FB2];
	_ =	sdelay $0x3  }
0x36: {  	p1 =	seq.s32 s10, $0x1;
	s10 =	sld [smem:$0x3FB3];
	_ =	sdelay $0x3  }
0x37: {  	[smem:$0x3FB3] =	sst s10  }
0x38: {  	s10 =	sld [smem:$0x3FB4]  }
0x39: {  	_ = 	snop;
	(pc) =	sbr.ind lr, $3  }
0x3a: {  	_ = 	snop  }
0x3b: {  	_ = 	snop  }
0x3c: {  	p2 =	seq.s32 s10, $0x1;
	s10 =	sld [smem:$0x3FB3]  }
0x3d: {  	_ =	shalt  }
0x3e: {  	_ =	shalt  }
0x3f: {  	_ =	shalt  }
0x40: {  	_ =	shalt  }
0x41: {  	_ =	shalt  }
0x42: {  	_ =	shalt  }
0x43: {  	_ =	shalt  }
0x44: {  	_ =	shalt  }
0x45: {  	_ =	shalt  }
0x46: {  	_ =	shalt  }
0x47: {  	_ =	shalt  }
0x48: {  	_ =	shalt  }
0x49: {  	_ =	shalt  }
0x4a: {  	_ =	shalt  }
0x4b: {  	_ =	shalt  }
0x4c: {  	_ =	shalt  }
0x4d: {  	_ =	shalt  }
0x4e: {  	_ =	shalt  }
0x4f: {  	_ =	shalt  }
0x50: {  	_ =	shalt  }
0x51: {  	_ =	shalt  }
0x52: {  	_ =	shalt  }
0x53: {  	_ =	shalt  }
0x54: {  	_ =	shalt  }
0x55: {  	_ =	shalt  }
0x56: {  	_ =	shalt  }
0x57: {  	_ =	shalt  }
0x58: {  	_ =	shalt  }
0x59: {  	_ =	shalt  }
0x5a: {  	_ =	shalt  }
0x5b: {  	_ =	shalt  }
0x5c: {  	_ =	shalt  }
0x5d: {  	_ =	shalt  }
0x5e: {  	_ =	shalt  }
0x5f: {  	_ =	shalt  }
0x60: {  	_ =	shalt  }
0x61: {  	_ =	shalt  }
0x62: {  	_ =	shalt  }
0x63: {  	_ =	shalt  }
0x64: {  	_ =	shalt  }
0x65: {  	_ =	shalt  }
0x66: {  	_ =	shalt  }
0x67: {  	_ =	shalt  }
0x68: {  	_ =	shalt  }
0x69: {  	_ =	shalt  }
0x6a: {  	_ =	shalt  }
0x6b: {  	_ =	shalt  }
0x6c: {  	_ =	shalt  }
0x6d: {  	_ =	shalt  }
0x6e: {  	_ =	shalt  }
0x6f: {  	_ =	shalt  }
0x70: {  	_ =	shalt  }
0x71: {  	_ =	shalt  }
0x72: {  	_ =	shalt  }
0x73: {  	_ =	shalt  }
0x74: {  	_ =	shalt  }
0x75: {  	_ =	shalt  }
0x76: {  	_ =	shalt  }
0x77: {  	_ =	shalt  }
0x78: {  	_ =	shalt  }
0x79: {  	_ =	shalt  }
0x7a: {  	_ =	shalt  }
0x7b: {  	_ =	shalt  }
0x7c: {  	_ =	shalt  }
0x7d: {  	_ =	shalt  }
0x7e: {  	_ =	shalt  }
0x7f: {  	_ =	shalt  }
0x80: {  	_ =	shalt  }
0x81: {  	_ =	shalt  }
0x82: {  	_ =	shalt  }
0x83: {  	_ =	shalt  }
0x84: {  	_ =	shalt  }
0x85: {  	_ =	shalt  }
0x86: {  	_ =	shalt  }
0x87: {  	_ =	shalt  }
.Lfunc_end0:
.L_simem_size_0:
called_computation.1_lowered:
.L_overlay_start_0:
0x88: {  	s2 =	sld [smem:$0x3FD9]  }
0x89: {  	s3 =	sld [smem:$0x3FFE];
	_ =	sdelay $0x1  }
0x8a: {  	s1 =	srdreg.scid  }
0x8b: {  	s0 =	sand.u32 $0x1, s1  }
0x8c: {  	s14 =	sshll.u32 s0, $0xA;
	s2 =	sadd.s32 s3, s2  }
0x8d: {  	s2 =	sadd.s32 s2, s14  }
0x8e: {  	[smem:$0x3FBF] =	sst s2  }
0x8f: {  	_ = 	snop  }
0x90: {  	s2 =	sld [smem:$0x3FD0];
	_ =	sdelay $0x2  }
0x91: {  	s15 =	simm.s32 $0xA;
	s4 =	simm.s32 $0x10  }
0x92: {  	[smem:s4], [sflag:s15] =	dma.local [hbm:s2], $0x1  }
0x93: {  	_ =	swait.eq [sflag:s15], $0x1  }
0x94: {  	[sflag:s15] =	ssyncset.done $0x0  }
0x95: {  	[sflag:s15] =	ssyncadd.s32 $0xFFFFFFFF  }
0x96: {  	s16 =	sld [smem:$0x10];
	(tm) =	ssettm $0x1  }
0x97: {  	s17 =	sld [smem:$0x3FFB];
	_ =	sdelay $0x3  }
0x98: {  	_ =	strace s17  }
0x99: {  	s3 =	sld [smem:$0x3FFC];
	_ =	sdelay $0x3  }
0x9a: {  	_ =	strace s3  }
0x9b: {  	s3 =	sld [smem:$0x3FFD];
	_ =	sdelay $0x3  }
0x9c: {  	_ =	strace s3  }
0x9d: {  	_ =	strace $0x8FFFFFFF  }
0x9e: {  	s18 =	sld [smem:$0x3FDB];
	_ =	sdelay $0x1  }
0x9f: {  	s19 =	simm.s32 $_scs_section_size  }
0xa0: {  	s5 =	simm.s32 $_size__tile_overlayer_lowered;
	s6 =	simm.s32 $_tile_overlayer_lowered  }
0xa1: {  	s22 =	simm.s32 $0x1BFF;
	s21 =	sshll.u32 s6, $0x1;
	s3 =	sadd.s32 s19, s18  }
0xa2: {  	s7 =	simm.s32 $0x0;
	s20 =	sshll.u32 s5, $0x1;
	s5 =	sadd.s32 s21, s3  }
0xa3: {  	[timem:s7], [sflag:s22] =	dma.local [hbm:s5], s20  }
0xa4: {  	_ =	swait.ge [sflag:s22], s20  }
0xa5: {  	s4 =	ssub.s32 $0x0, s20;
	[sflag:s22] =	ssyncset.done $0x0  }
0xa6: {  	[sflag:s22] =	ssyncadd.s32 s4;
	_ =	sdelay $0x1  }
0xa7: {  	s23 =	simm.s32 $0x1B8B  }
0xa8: {  	_ =	swait.ge [sflag:s23], $0x1  }
0xa9: {  	[sflag:s23] =	ssyncset.done $0x0  }
0xaa: {  	s25 =	simm.s32 $0x1B8E;
	s24 =	sld [smem:$0x3FFE];
	[sflag:s23] =	ssyncadd.s32 $0xFFFFFFFF  }
0xab: {  	s26 =	simm.s32 $execute0_lowered;
	[smem:$0x3FD2] =	sst s25  }
0xac: {  	s5 =	sshll.u32 s26, $0x1;
	_ =	strace $0x80000049;
	[dreg:$0x1] =	wrdreg $0xFFFFFFFF  }
0xad: {  	s28 =	simm.s32 $_size_execute0_lowered;
	s3 =	sadd.s32 s3, s5;
	[dreg:$0x0] =	wrdreg $0x0  }
0xae: {  	s5 =	sshll.u32 s28, $0x1;
	[dreg:$0x2] =	wrdreg s3  }
0xaf: {  	[dreg:$0x3] =	wrdreg s5  }
0xb0: {  	[dreg:$0x4] =	wrdreg $0xC0  }
0xb1: {  	_ =	task [dreg:s7], $0x5FFFF  }
0xb2: {  	[dreg:$0x1] =	wrdreg $0xFFFFFFFF  }
0xb3: {  	[dreg:$0x0] =	wrdreg $0x60  }
0xb4: {  	[dreg:$0x2] =	wrdreg s24  }
0xb5: {  	[dreg:$0x3] =	wrdreg s16  }
0xb6: {  	[dreg:$0x4] =	wrdreg $0x90000  }
0xb7: {  	[dreg:$0x5] =	wrdreg $0x9  }
0xb8: {  	_ =	task.clear_ibuf [dreg:s7], $0x6FFFF;
	_ =	strace $0x90000049  }
0xb9: {  	s29 =	simm.s32 $0x9;
	_ =	strace $0x8000004B  }
0xba: {  	_ =	swait.ge [sflag:s29], $0x1  }
0xbb: {  	[sflag:s29] =	ssyncadd.s32 $0xFFFFFFFF  }
0xbc: {  	_ =	strace $0x9000004B  }
0xbd: {  	_ =	sfence  }
0xbe: {  	s30 =	sld [smem:$0x0];
	_ =	sdelay $0x2  }
0xbf: {  	s31 =	sshll.u32 s1, $0xD;
	s1 =	sshrl.u32 s1, $0x2  }
0xc0: {  	s3 =	sand.u32 $0x4000, s31;
	s1 =	sadd.s32 s1, s30  }
0xc1: {  	s0 =	sor.u32 s3, s0;
	s1 =	sshll.u32 s1, $0x11  }
0xc2: {  	s0 =	sor.u32 s1, s0  }
0xc3: {  	s0 =	sadd.s32 $0x8F2B, s0  }
0xc4: {  	[sflag:s0] =	ssyncadd.remote.s32 $0x1  }
0xc5: {  	_ =	sfence.sel $0xFFFF  }
0xc6: {  	[dreg:$0x0] =	wrdreg $0xFFFFFFFF;
	(pc) =	sbr.abs _section_cstart, $3  }
0xc7: {  	[dreg:$0x1] =	wrdreg $0xFFFFFFFF  }
0xc8: {  	_ =	task.clear_ibuf [dreg:s7], $0x2FFFF;
	_ =	strace $0x9FFFFFFF  }
0xc9: {  	(tm) =	ssettm $0x7FFFFFFF  }
tec
execute0_lowered:
.L_overlay_start_1:
0x0: {  	(tag) =	ssettag $0x1  }
0x1: {  	s6 =	rddreg [dreg:$0x0]  }
0x2: {  	s7 =	rddreg [dreg:$0x1]  }
0x3: {  	s0 =	srdreg.scid;
	s2 =	rddreg [dreg:$0x2]  }
0x4: {  	s1 =	rddreg [dreg:$0x3];
	s8 =	sand.u32 $0x1, s0  }
0x5: {  	s0 =	stileid.u32;
	s4 =	smul.u32 $0x28000, s8  }
0x6: {  	s3 =	simm.s32 $0x0;
	s15 =	simm.s32 $0x5000;
	s5 =	smul.u32 $0x2800, s0  }
0x7: {  	s16 =	simm.s32 $0x1;
	[smem:$0x7FF] =	sst s3;
	s9 =	smul.u32 $0x140000, s8  }
0x8: {  	s17 =	simm.s32 $0x0;
	s10 =	smul.u32 $0x14000, s0;
	_ =	strace $0x8000004A  }
0x9: {  	s29 =	smul.u32 $0x50000, s0;
	s8 =	ssub.s32 $0x2, s8;
	s31 =	sshll.u32 s0, $0x6  }
0xa: {  	s30 =	sshrl.u32 s8, $0x1;
	s5 =	sadd.s32 s5, s4;
	s4 =	sadd.s32 $0xCE00, s6  }
0xb: {  	s9 =	sadd.s32 s10, s9;
	s10 =	sshrl.u32 s29, $0x2;
	s13 =	ssub.s32 s8, s30  }
0xc: {  	s11 =	sshrl.u32 s5, $0x3;
	s5 =	sadd.s32 $0x34E00, s6;
	s9 =	sshrl.u32 s9, $0x3  }
0xd: {  	s14 =	sadd.s32 s10, s2;
	s10 =	smax.u32 s13, $0x1;
	s13 =	simm.s32 $0x2800  }
0xe: {  	s12 =	sadd.s32 s11, s6;
	s9 =	sadd.s32 s9, s6;
	s6 =	sor.u32 $0x1C02, s31  }
0xf: {  	s7 =	sadd.s32 s7, s11;
	s11 =	sshrl.u32 s14, $0x3;
	s14 =	simm.s32 $0x80  }
0x10: {  	s8 =	sadd.s32 $0x2E00, s12;
	s9 =	sadd.s32 $0x37600, s9;
	s12 =	simm.s32 $0x2  }
.LBB2_1:
0x11: {  	[spmem:s11], [sflag:s6] =	dma.local [hbm:s5], $0x2800  }
0x12: {  	_ =	swait.ge [sflag:s12], $0x2800  }
0x13: {  	[sflag:s12] =	ssyncset.done $0x0  }
0x14: {  	[sflag:s12] =	ssyncadd.s32 $0xFFFFD800  }
0x15: {  	[tilespmem:s3], [sflag:$0x2] =	stream.linear.gather [hbm4b:s7+s3], $0x2780, $0x38;
	[tilespmem:$0x1D000] =	vst v63  }
0x16: {  	_ =	swait.ge [sflag:s12], $0x2780  }
0x17: {  	[sflag:s12] =	ssyncset.done $0x0  }
0x18: {  	[sflag:s12] =	ssyncadd.s32 $0xFFFFD880  }
0x19: {  	[tilespmem:s13], [sflag:$0x2] =	stream.linear.gather [hbm4b:s8+s3], $0x2780, $0x38;
	[tilespmem:$0x1D000] =	vst v63  }
0x1a: {  	_ =	swait.ge [sflag:s12], $0x2780  }
0x1b: {  	[sflag:s12] =	ssyncset.done $0x0  }
0x1c: {  	[sflag:s12] =	ssyncadd.s32 $0xFFFFD880  }
0x1d: {  	s18 =	simm.s32 $0x0;
	[bflag:$0x0] =	sbarrier.arrive $0xFFFF  }
0x1e: {  	[tilespmem:s15], [sflag:$0x1] =	stream.indirect.gather [hbm4b:s4+s14], $0x80, s18, s14, $0xb8;
	[tilespmem:$0x1D000] =	vst v63  }
0x1f: {  	_ =	swait.ge [sflag:s16], $0x4000  }
0x20: {  	[sflag:s16] =	ssyncset.done $0x0  }
0x21: {  	s31 =	simm.s32 $0x2800;
	[sflag:s16] =	ssyncadd.s32 $0xFFFFC000  }
0x22: {  	[spmem:s2] =	stream.indirect.scatter.add.f32 [tilespmem:s15], [sflag:$0x2], $0x80, s31, s14, $0xb8;
	[tilespmem:$0x1D000] =	vst v63  }
0x23: {  	_ =	swait.ge [sflag:s12], $0x4000  }
0x24: {  	s19 =	simm.s32 $0x400;
	s18 =	simm.s32 $0x200;
	[sflag:s12] =	ssyncset.done $0x0  }
.LBB2_2:
0x25: {  	s20 =	sshra.s32 s18, $0x2  }
0x26: {  	[sflag:s12] =	ssyncadd.s32 $0xFFFFC000;
	s18 =	smov.u32 s19;
	s21 =	sadd.s32 $0x200, s19  }
0x27: {  	[tilespmem:s15], [sflag:$0x1] =	stream.indirect.gather [hbm4b:s4+s14], $0x80, s20, s14, $0xb8;
	[tilespmem:$0x1D000] =	vst v63  }
0x28: {  	p0 =	sne.s32 s19, $0x9C00;
	_ =	swait.ge [sflag:s16], $0x4000  }
.Ltmp0:
0x29: {  	[sflag:s16] =	ssyncset.done $0x0;
	(pc) =	sbr.rel @p0 .LBB2_2-.Ltmp0, $4  }
0x2a: {  	s19 =	sadd.s32 $0x2800, s20;
	[sflag:s16] =	ssyncadd.s32 $0xFFFFC000  }
0x2b: {  	[spmem:s2] =	stream.indirect.scatter.add.f32 [tilespmem:s15], [sflag:$0x2], $0x80, s19, s14, $0xb8;
	[tilespmem:$0x1D000] =	vst v63  }
0x2c: {  	_ =	swait.ge [sflag:s12], $0x4000  }
0x2d: {  	s19 =	smov.u32 s21;
	[sflag:s12] =	ssyncset.done $0x0  }
0x2e: {  	s18 =	sshra.s32 s18, $0x2;
	[sflag:s12] =	ssyncadd.s32 $0xFFFFC000  }
0x2f: {  	[tilespmem:s15], [sflag:$0x1] =	stream.indirect.gather [hbm4b:s4+s14], $0x80, s18, s14, $0xb8;
	[tilespmem:$0x1D000] =	vst v63  }
0x30: {  	_ =	swait.ge [sflag:s16], $0x4000  }
0x31: {  	[sflag:s16] =	ssyncset.done $0x0  }
0x32: {  	s18 =	sadd.s32 $0x2800, s18;
	[sflag:s16] =	ssyncadd.s32 $0xFFFFC000  }
0x33: {  	[spmem:s2] =	stream.indirect.scatter.add.f32 [tilespmem:s15], [sflag:$0x2], $0x80, s18, s14, $0xb8;
	[tilespmem:$0x1D000] =	vst v63  }
0x34: {  	_ =	swait.ge [sflag:s12], $0x4000  }
0x35: {  	s17 =	sadd.s32 $0x1, s17;
	[sflag:s12] =	ssyncset.done $0x0  }
0x36: {  	p0 =	sne.s32 s17, s10;
	[sflag:s12] =	ssyncadd.s32 $0xFFFFC000  }
.Ltmp1:
0x37: {  	[bflag:$0x0] =	sbarrier.arrive $0xFFFF;
	(pc) =	sbr.rel @p0 .LBB2_1-.Ltmp1, $4  }
0x38: {  	[hbm:s9], [sflag:s6] =	dma.local [spmem:s11], $0x2800  }
0x39: {  	_ =	swait.ge [sflag:s12], $0x2800  }
0x3a: {  	[sflag:s12] =	ssyncset.done $0x0  }
0x3b: {  	[sflag:s12] =	ssyncadd.s32 $0xFFFFD800  }
0x3c: {  	_ =	sfence.sel $0x180000  }
0x3d: {  	[bflag:$0x0] =	sbarrier.arrive $0xFFFF  }
0x3e: {  	p0 =	sne.s32 s0, $0x0;
	_ =	strace $0x9000004A  }
0x3f: {  	s0 =	sadd.s32 @!p0 $0x100000, s1;
	[bflag:$0x2] =	sbarrier.arrive $0xFFFF  }
0x40: {  	[sflag:s0] =	ssyncadd.tile.s32 @!p0 $0x1;
	_ =	shalt  }
.Lfunc_end2:
_tile_overlayer_lowered:
.L_overlay_start_2:
0x41: {  	(tag) =	ssettag $0x2  }
0x42: {  	s0 =	rddreg [dreg:$0x0];
	s2 =	stileid.u32  }
0x43: {  	s1 =	rddreg [dreg:$0x1];
	p0 =	sne.s32 s2, $0x0  }
0x44: {  	s3 =	rddreg [dreg:$0x2];
	[bflag:$0x3] =	sbarrier.arrive $0xFFFF;
	s2 =	simm.s32 @!p0 $0x1C02  }
0x45: {  	[timem:s3], [sflag:s2] =	dma.local @!p0 [hbm:s0], s1  }
0x46: {  	s0 =	simm.s32 @!p0 $0x2  }
0x47: {  	_ =	swait.ge @!p0 [sflag:s0], s1  }
0x48: {  	s1 =	ssub.s32 @!p0 $0x0, s1;
	[sflag:s0] =	ssyncset.done @!p0 $0x0  }
0x49: {  	[sflag:s0] =	ssyncadd.s32 @!p0 s1  }
0x4a: {  	[bflag:$0x3] =	sbarrier.arrive $0xFFFF  }
0x4b: {  	_ =	shalt  }

</sc_bundles>
